<compile_context>
chip_gen: v7x
topology: tpu7x:2x2x1
jax: 0.10.2.dev20260603
libtpu: 0.0.44.dev20260713+nightly
codegen_flags: <defaults>
</compile_context>

<pallas_src>
import functools

import jax
import jax.numpy as jnp
from jax import lax
from jax.experimental import pallas as pl
from jax.experimental.pallas import tpu as pltpu
from jax.experimental.pallas import tpu_sc as plsc

_NC = 2
_NS = 16
_NW = _NC * _NS
_LANES = 16
_CHUNK_ROWS = 8
_NBUF = 4


def _sc_add(x, pos):
    batch, seq_len, dim = x.shape
    total_rows = batch * seq_len
    rows_per_w = total_rows // _NW
    n_chunks = rows_per_w // _CHUNK_ROWS
    chunk_words = _CHUNK_ROWS * dim
    n_outer = n_chunks // _NBUF
    x1 = x.reshape(-1)
    p1 = pos.reshape(-1)

    mesh = plsc.VectorSubcoreMesh(
        core_axis_name="c", subcore_axis_name="s",
        num_cores=_NC, num_subcores=_NS,
    )

    vmem = lambda: pltpu.VMEM((chunk_words,), jnp.float32)

    @functools.partial(
        pl.kernel,
        out_type=jax.ShapeDtypeStruct((total_rows * dim,), jnp.float32),
        mesh=mesh,
        scratch_types=(
            [vmem() for _ in range(3 * _NBUF)]
            + [pltpu.SemaphoreType.DMA for _ in range(3 * _NBUF)]
        ),
    )
    def k(x_hbm, p_hbm, o_hbm, *scr):
        xbufs = scr[0:_NBUF]
        pbufs = scr[_NBUF:2 * _NBUF]
        obufs = scr[2 * _NBUF:3 * _NBUF]
        sxs = scr[3 * _NBUF:4 * _NBUF]
        sps = scr[4 * _NBUF:5 * _NBUF]
        sos = scr[5 * _NBUF:6 * _NBUF]
        wid = lax.axis_index("s") * _NC + lax.axis_index("c")
        xbase = wid * (rows_per_w * dim)
        pbase = ((wid * rows_per_w) % seq_len) * dim

        def in_copies(c, b):
            off = c * chunk_words
            return (
                pltpu.make_async_copy(
                    x_hbm.at[pl.ds(xbase + off, chunk_words)], xbufs[b], sxs[b]),
                pltpu.make_async_copy(
                    p_hbm.at[pl.ds(pbase + off, chunk_words)], pbufs[b], sps[b]),
            )

        def out_copy(c, b):
            off = c * chunk_words
            return pltpu.make_async_copy(
                obufs[b], o_hbm.at[pl.ds(xbase + off, chunk_words)], sos[b])

        for b in range(_NBUF):
            for cp in in_copies(b, b):
                cp.start()

        def outer(g, carry):
            for b in range(_NBUF):
                c = g * _NBUF + b
                for cp in in_copies(c, b):
                    cp.wait()

                @pl.when(g >= 1)
                def _():
                    out_copy(c - _NBUF, b).wait()

                ob, xbuf, pbuf = obufs[b], xbufs[b], pbufs[b]

                @plsc.parallel_loop(0, chunk_words // _LANES, unroll=8)
                def _(i):
                    sl = pl.ds(i * _LANES, _LANES)
                    ob[sl] = xbuf[sl] + pbuf[sl]

                out_copy(c, b).start()

                @pl.when(g < n_outer - 1)
                def _():
                    for cp in in_copies(c + _NBUF, b):
                        cp.start()
            return carry

        lax.fori_loop(0, n_outer, outer, 0)
        for b in range(_NBUF):
            out_copy(n_chunks - _NBUF + b, b).wait()

    return k(x1, p1).reshape(x.shape)


def kernel(x, pos_table):
    seq_len = x.shape[1]
    return _sc_add(x, pos_table[:seq_len])

# --- scband reference (transcript-rebuilt; emitter-appended) ---
"""Pipeline reference for scband-learned-positional-encoding-61890478735519 (READ-ONLY COPY).

The authoritative reference and input builder live on the scoring server;
editing this copy changes nothing except your own understanding.
"""

import jax, jax.numpy as jnp
import numpy as np

MAX_LEN = 8192
EMBED_DIM = 1024
BATCH = 4
SEQ_LEN = 8192

def setup_inputs(seed: int = 0) -> dict:
    key = jax.random.key(seed)
    k_x, k_w = jax.random.split(key)
    x = jax.random.normal(k_x, (BATCH, SEQ_LEN, EMBED_DIM), dtype=jnp.float32)
    pos_table = jax.random.normal(k_w, (MAX_LEN, EMBED_DIM), dtype=jnp.float32)
    return {"x": x, "pos_table": pos_table}

def reference(x, pos_table):
    seq_len = x.shape[1]
    positions = jnp.arange(seq_len)[None, :]  # [1, S]
    pos_embed = jnp.take(pos_table, positions, axis=0)  # [1, S, D]
    return x + pos_embed

if __name__ == "__main__":
    import jax
    _d = setup_inputs()
    print(jax.jit(kernel)(*tuple(_d.values())))

</pallas_src>

<mosaic_0001>
#map = affine_map<(d0, d1) -> (0)>
module attributes {stable_mosaic.version = 14 : i64} {
  func.func @k(%arg0: i32, %arg1: i32, %arg2: memref<33554432xf32, #tpu.memory_space<hbm>>, %arg3: memref<8388608xf32, #tpu.memory_space<hbm>>, %arg4: memref<33554432xf32, #tpu.memory_space<hbm>>, %arg5: memref<8192xf32, #tpu.memory_space<vmem>>, %arg6: memref<8192xf32, #tpu.memory_space<vmem>>, %arg7: memref<8192xf32, #tpu.memory_space<vmem>>, %arg8: memref<8192xf32, #tpu.memory_space<vmem>>, %arg9: memref<8192xf32, #tpu.memory_space<vmem>>, %arg10: memref<8192xf32, #tpu.memory_space<vmem>>, %arg11: memref<8192xf32, #tpu.memory_space<vmem>>, %arg12: memref<8192xf32, #tpu.memory_space<vmem>>, %arg13: memref<8192xf32, #tpu.memory_space<vmem>>, %arg14: memref<8192xf32, #tpu.memory_space<vmem>>, %arg15: memref<8192xf32, #tpu.memory_space<vmem>>, %arg16: memref<8192xf32, #tpu.memory_space<vmem>>, %arg17: memref<!tpu.dma_semaphore, #tpu.memory_space<semaphore_mem>>, %arg18: memref<!tpu.dma_semaphore, #tpu.memory_space<semaphore_mem>>, %arg19: memref<!tpu.dma_semaphore, #tpu.memory_space<semaphore_mem>>, %arg20: memref<!tpu.dma_semaphore, #tpu.memory_space<semaphore_mem>>, %arg21: memref<!tpu.dma_semaphore, #tpu.memory_space<semaphore_mem>>, %arg22: memref<!tpu.dma_semaphore, #tpu.memory_space<semaphore_mem>>, %arg23: memref<!tpu.dma_semaphore, #tpu.memory_space<semaphore_mem>>, %arg24: memref<!tpu.dma_semaphore, #tpu.memory_space<semaphore_mem>>, %arg25: memref<!tpu.dma_semaphore, #tpu.memory_space<semaphore_mem>>, %arg26: memref<!tpu.dma_semaphore, #tpu.memory_space<semaphore_mem>>, %arg27: memref<!tpu.dma_semaphore, #tpu.memory_space<semaphore_mem>>, %arg28: memref<!tpu.dma_semaphore, #tpu.memory_space<semaphore_mem>>) attributes {dimension_semantics = [#tpu.dimension_semantics<core_parallel>, #tpu.dimension_semantics<subcore_parallel>], iteration_bounds = array<i64: 2, 16>, scalar_prefetch = 0 : i64, scratch_operands = 24 : i64, tpu.core_type = #tpu.core_type<sc_vector_subcore>, window_params = [{transform_indices = #map}, {transform_indices = #map}, {transform_indices = #map}]} {
    %mul3A = arith.constant 2 : i32
    %mul3A_0 = arith.muli %arg1, %mul3A : i32
    %add3A = arith.addi %mul3A_0, %arg0 : i32
    %mul3A_1 = arith.constant 1048576 : i32
    %mul3A_2 = arith.muli %add3A, %mul3A_1 : i32
    %mul3A_3 = arith.constant 1024 : i32
    %mul3A_4 = arith.muli %add3A, %mul3A_3 : i32
    %jit3A = arith.constant 8192 : i32
    %eq3A = arith.constant 0 : i32
    %eq3A_5 = arith.cmpi eq, %jit3A, %eq3A : i32
    %jit3A_6 = arith.constant 1 : i32
    %select_n3A = arith.select %eq3A_5, %jit3A_6, %jit3A : i32
    %rem3A = arith.remsi %mul3A_4, %select_n3A : i32
    %ne3A = arith.constant 0 : i32
    %ne3A_7 = arith.cmpi ne, %rem3A, %ne3A : i32
    %lt3A = arith.constant 0 : i32
    %lt3A_8 = arith.cmpi slt, %rem3A, %lt3A : i32
    %lt3A_9 = arith.constant 0 : i32
    %lt3A_10 = arith.cmpi slt, %select_n3A, %lt3A_9 : i32
    %ne3A_11 = arith.xori %lt3A_8, %lt3A_10 : i1
    %and3A = arith.andi %ne3A_11, %ne3A_7 : i1
    %add3A_12 = arith.addi %rem3A, %select_n3A : i32
    %select_n3A_13 = arith.select %and3A, %add3A_12, %rem3A : i32
    %mul3A_14 = arith.constant 1024 : i32
    %mul3A_15 = arith.muli %select_n3A_13, %mul3A_14 : i32
    %add3A_16 = arith.constant 0 : i32
    %add3A_17 = arith.addi %mul3A_2, %add3A_16 : i32
    %add3A_18 = arith.constant 0 : i32
    %add3A_19 = arith.addi %mul3A_15, %add3A_18 : i32
    %dma_start3A = tpu.memref_slice %arg2[%add3A_17] : memref<33554432xf32, #tpu.memory_space<hbm>> -> memref<8192xf32, #tpu.memory_space<hbm>>
    %dma_start3A_20 = tpu.memref_slice %arg2[%add3A_17] : memref<33554432xf32, #tpu.memory_space<hbm>> -> memref<8192xf32, #tpu.memory_space<hbm>>
    tpu.enqueue_dma source(%dma_start3A_20 : memref<8192xf32, #tpu.memory_space<hbm>>) target(%arg5 : memref<8192xf32, #tpu.memory_space<vmem>>) target_semaphore(%arg17 : memref<!tpu.dma_semaphore, #tpu.memory_space<semaphore_mem>>)
    %dma_start3A_21 = tpu.memref_slice %arg3[%add3A_19] : memref<8388608xf32, #tpu.memory_space<hbm>> -> memref<8192xf32, #tpu.memory_space<hbm>>
    %dma_start3A_22 = tpu.memref_slice %arg3[%add3A_19] : memref<8388608xf32, #tpu.memory_space<hbm>> -> memref<8192xf32, #tpu.memory_space<hbm>>
    tpu.enqueue_dma source(%dma_start3A_22 : memref<8192xf32, #tpu.memory_space<hbm>>) target(%arg9 : memref<8192xf32, #tpu.memory_space<vmem>>) target_semaphore(%arg21 : memref<!tpu.dma_semaphore, #tpu.memory_space<semaphore_mem>>)
    %add3A_23 = arith.constant 8192 : i32
    %add3A_24 = arith.addi %mul3A_2, %add3A_23 : i32
    %add3A_25 = arith.constant 8192 : i32
    %add3A_26 = arith.addi %mul3A_15, %add3A_25 : i32
    %dma_start3A_27 = tpu.memref_slice %arg2[%add3A_24] : memref<33554432xf32, #tpu.memory_space<hbm>> -> memref<8192xf32, #tpu.memory_space<hbm>>
    %dma_start3A_28 = tpu.memref_slice %arg2[%add3A_24] : memref<33554432xf32, #tpu.memory_space<hbm>> -> memref<8192xf32, #tpu.memory_space<hbm>>
    tpu.enqueue_dma source(%dma_start3A_28 : memref<8192xf32, #tpu.memory_space<hbm>>) target(%arg6 : memref<8192xf32, #tpu.memory_space<vmem>>) target_semaphore(%arg18 : memref<!tpu.dma_semaphore, #tpu.memory_space<semaphore_mem>>)
    %dma_start3A_29 = tpu.memref_slice %arg3[%add3A_26] : memref<8388608xf32, #tpu.memory_space<hbm>> -> memref<8192xf32, #tpu.memory_space<hbm>>
    %dma_start3A_30 = tpu.memref_slice %arg3[%add3A_26] : memref<8388608xf32, #tpu.memory_space<hbm>> -> memref<8192xf32, #tpu.memory_space<hbm>>
    tpu.enqueue_dma source(%dma_start3A_30 : memref<8192xf32, #tpu.memory_space<hbm>>) target(%arg10 : memref<8192xf32, #tpu.memory_space<vmem>>) target_semaphore(%arg22 : memref<!tpu.dma_semaphore, #tpu.memory_space<semaphore_mem>>)
    %add3A_31 = arith.constant 16384 : i32
    %add3A_32 = arith.addi %mul3A_2, %add3A_31 : i32
    %add3A_33 = arith.constant 16384 : i32
    %add3A_34 = arith.addi %mul3A_15, %add3A_33 : i32
    %dma_start3A_35 = tpu.memref_slice %arg2[%add3A_32] : memref<33554432xf32, #tpu.memory_space<hbm>> -> memref<8192xf32, #tpu.memory_space<hbm>>
    %dma_start3A_36 = tpu.memref_slice %arg2[%add3A_32] : memref<33554432xf32, #tpu.memory_space<hbm>> -> memref<8192xf32, #tpu.memory_space<hbm>>
    tpu.enqueue_dma source(%dma_start3A_36 : memref<8192xf32, #tpu.memory_space<hbm>>) target(%arg7 : memref<8192xf32, #tpu.memory_space<vmem>>) target_semaphore(%arg19 : memref<!tpu.dma_semaphore, #tpu.memory_space<semaphore_mem>>)
    %dma_start3A_37 = tpu.memref_slice %arg3[%add3A_34] : memref<8388608xf32, #tpu.memory_space<hbm>> -> memref<8192xf32, #tpu.memory_space<hbm>>
    %dma_start3A_38 = tpu.memref_slice %arg3[%add3A_34] : memref<8388608xf32, #tpu.memory_space<hbm>> -> memref<8192xf32, #tpu.memory_space<hbm>>
    tpu.enqueue_dma source(%dma_start3A_38 : memref<8192xf32, #tpu.memory_space<hbm>>) target(%arg11 : memref<8192xf32, #tpu.memory_space<vmem>>) target_semaphore(%arg23 : memref<!tpu.dma_semaphore, #tpu.memory_space<semaphore_mem>>)
    %add3A_39 = arith.constant 24576 : i32
    %add3A_40 = arith.addi %mul3A_2, %add3A_39 : i32
    %add3A_41 = arith.constant 24576 : i32
    %add3A_42 = arith.addi %mul3A_15, %add3A_41 : i32
    %dma_start3A_43 = tpu.memref_slice %arg2[%add3A_40] : memref<33554432xf32, #tpu.memory_space<hbm>> -> memref<8192xf32, #tpu.memory_space<hbm>>
    %dma_start3A_44 = tpu.memref_slice %arg2[%add3A_40] : memref<33554432xf32, #tpu.memory_space<hbm>> -> memref<8192xf32, #tpu.memory_space<hbm>>
    tpu.enqueue_dma source(%dma_start3A_44 : memref<8192xf32, #tpu.memory_space<hbm>>) target(%arg8 : memref<8192xf32, #tpu.memory_space<vmem>>) target_semaphore(%arg20 : memref<!tpu.dma_semaphore, #tpu.memory_space<semaphore_mem>>)
    %dma_start3A_45 = tpu.memref_slice %arg3[%add3A_42] : memref<8388608xf32, #tpu.memory_space<hbm>> -> memref<8192xf32, #tpu.memory_space<hbm>>
    %dma_start3A_46 = tpu.memref_slice %arg3[%add3A_42] : memref<8388608xf32, #tpu.memory_space<hbm>> -> memref<8192xf32, #tpu.memory_space<hbm>>
    tpu.enqueue_dma source(%dma_start3A_46 : memref<8192xf32, #tpu.memory_space<hbm>>) target(%arg12 : memref<8192xf32, #tpu.memory_space<vmem>>) target_semaphore(%arg24 : memref<!tpu.dma_semaphore, #tpu.memory_space<semaphore_mem>>)
    %scan3A = arith.constant 0 : i32
    %scan3A_47 = arith.constant 0 : i32
    %scan3A_48 = arith.constant 32 : i32
    %scan3A_49 = arith.addi %scan3A_47, %scan3A_48 : i32
    %scan3A_50 = arith.constant 1 : i32
    scf.for %scan3A_67 = %scan3A_47 to %scan3A_49 step %scan3A_50  : i32 {
      %mul3A_68 = arith.constant 4 : i32
      %mul3A_69 = arith.muli %scan3A_67, %mul3A_68 : i32
      %add3A_70 = arith.constant 0 : i32
      %add3A_71 = arith.addi %mul3A_69, %add3A_70 : i32
      %mul3A_72 = arith.constant 8192 : i32
      %mul3A_73 = arith.muli %add3A_71, %mul3A_72 : i32
      %add3A_74 = arith.addi %mul3A_2, %mul3A_73 : i32
      %add3A_75 = arith.addi %mul3A_15, %mul3A_73 : i32
      %dma_wait3A_76 = tpu.memref_slice %arg2[%add3A_74] : memref<33554432xf32, #tpu.memory_space<hbm>> -> memref<8192xf32, #tpu.memory_space<hbm>>
      %dma_wait3A_77 = tpu.memref_slice %arg2[%add3A_74] : memref<33554432xf32, #tpu.memory_space<hbm>> -> memref<8192xf32, #tpu.memory_space<hbm>>
      tpu.wait_dma2 semaphore(%arg17 : memref<!tpu.dma_semaphore, #tpu.memory_space<semaphore_mem>>) src(%dma_wait3A_77 : memref<8192xf32, #tpu.memory_space<hbm>>) dst(%arg5 : memref<8192xf32, #tpu.memory_space<vmem>>)
      %dma_wait3A_78 = tpu.memref_slice %arg3[%add3A_75] : memref<8388608xf32, #tpu.memory_space<hbm>> -> memref<8192xf32, #tpu.memory_space<hbm>>
      %dma_wait3A_79 = tpu.memref_slice %arg3[%add3A_75] : memref<8388608xf32, #tpu.memory_space<hbm>> -> memref<8192xf32, #tpu.memory_space<hbm>>
      tpu.wait_dma2 semaphore(%arg21 : memref<!tpu.dma_semaphore, #tpu.memory_space<semaphore_mem>>) src(%dma_wait3A_79 : memref<8192xf32, #tpu.memory_space<hbm>>) dst(%arg9 : memref<8192xf32, #tpu.memory_space<vmem>>)
      %ge3A = arith.constant 1 : i32
      %ge3A_80 = arith.cmpi sge, %scan3A_67, %ge3A : i32
      %convert_element_type3A = arith.extui %ge3A_80 : i1 to i32
      %cond3A = arith.constant 0 : i32
      %cond3A_81 = arith.cmpi ne, %convert_element_type3A, %cond3A : i32
      scf.if %cond3A_81 {
        %sub3A = arith.constant 4 : i32
        %sub3A_184 = arith.subi %add3A_71, %sub3A : i32
        %mul3A_185 = arith.constant 8192 : i32
        %mul3A_186 = arith.muli %sub3A_184, %mul3A_185 : i32
        %add3A_187 = arith.addi %mul3A_2, %mul3A_186 : i32
        %dma_wait3A_188 = tpu.memref_slice %arg4[%add3A_187] : memref<33554432xf32, #tpu.memory_space<hbm>> -> memref<8192xf32, #tpu.memory_space<hbm>>
        %dma_wait3A_189 = tpu.memref_slice %arg4[%add3A_187] : memref<33554432xf32, #tpu.memory_space<hbm>> -> memref<8192xf32, #tpu.memory_space<hbm>>
        tpu.wait_dma2 semaphore(%arg25 : memref<!tpu.dma_semaphore, #tpu.memory_space<semaphore_mem>>) src(%arg13 : memref<8192xf32, #tpu.memory_space<vmem>>) dst(%dma_wait3A_189 : memref<8192xf32, #tpu.memory_space<hbm>>)
      } else {
      }
      %parallel_loop3A = arith.constant 0 : i32
      %parallel_loop3A_82 = arith.constant 512 : i32
      %parallel_loop3A_83 = arith.constant 1 : i32
      scf.for %parallel_loop3A_184 = %parallel_loop3A to %parallel_loop3A_82 step %parallel_loop3A_83  : i32 {
        %parallel_loop3A_185 = arith.constant 16 : i32
        %parallel_loop3A_186 = arith.muli %parallel_loop3A_184, %parallel_loop3A_185 : i32
        %parallel_loop3A_187 = arith.index_cast %parallel_loop3A_186 : i32 to index
        %parallel_loop3A_188 = tpu.vector_load %arg5[%parallel_loop3A_187] {strides = array<i32>} : memref<8192xf32, #tpu.memory_space<vmem>>, vector<16xf32>,
        %parallel_loop3A_189 = vector.shape_cast %parallel_loop3A_188 : vector<16xf32> to vector<16xf32>
        %parallel_loop3A_190 = arith.index_cast %parallel_loop3A_186 : i32 to index
        %parallel_loop3A_191 = tpu.vector_load %arg9[%parallel_loop3A_190] {strides = array<i32>} : memref<8192xf32, #tpu.memory_space<vmem>>, vector<16xf32>,
        %parallel_loop3A_192 = vector.shape_cast %parallel_loop3A_191 : vector<16xf32> to vector<16xf32>
        %parallel_loop3A_193 = arith.addf %parallel_loop3A_189, %parallel_loop3A_192 : vector<16xf32>
        %parallel_loop3A_194 = arith.index_cast %parallel_loop3A_186 : i32 to index
        %parallel_loop3A_195 = tpu.vector_load %arg13[%parallel_loop3A_194] {strides = array<i32>} : memref<8192xf32, #tpu.memory_space<vmem>>, vector<16xf32>,
        %parallel_loop3A_196 = vector.shape_cast %parallel_loop3A_195 : vector<16xf32> to vector<16xf32>
        %parallel_loop3A_197 = vector.shape_cast %parallel_loop3A_193 : vector<16xf32> to vector<16xf32>
        tpu.vector_store %arg13[%parallel_loop3A_194], %parallel_loop3A_197 {strides = array<i32>} : memref<8192xf32, #tpu.memory_space<vmem>>, vector<16xf32>,
      } {sc.loop_unroll_factor = 8 : i64, sc.parallel_access}
      %mul3A_84 = arith.constant 8192 : i32
      %mul3A_85 = arith.muli %add3A_71, %mul3A_84 : i32
      %add3A_86 = arith.addi %mul3A_2, %mul3A_85 : i32
      %dma_start3A_87 = tpu.memref_slice %arg4[%add3A_86] : memref<33554432xf32, #tpu.memory_space<hbm>> -> memref<8192xf32, #tpu.memory_space<hbm>>
      %dma_start3A_88 = tpu.memref_slice %arg4[%add3A_86] : memref<33554432xf32, #tpu.memory_space<hbm>> -> memref<8192xf32, #tpu.memory_space<hbm>>
      tpu.enqueue_dma source(%arg13 : memref<8192xf32, #tpu.memory_space<vmem>>) target(%dma_start3A_88 : memref<8192xf32, #tpu.memory_space<hbm>>) target_semaphore(%arg25 : memref<!tpu.dma_semaphore, #tpu.memory_space<semaphore_mem>>)
      %lt3A_89 = arith.constant 31 : i32
      %lt3A_90 = arith.cmpi slt, %scan3A_67, %lt3A_89 : i32
      %convert_element_type3A_91 = arith.extui %lt3A_90 : i1 to i32
      %cond3A_92 = arith.constant 0 : i32
      %cond3A_93 = arith.cmpi ne, %convert_element_type3A_91, %cond3A_92 : i32
      scf.if %cond3A_93 {
        %add3A_184 = arith.constant 4 : i32
        %add3A_185 = arith.addi %add3A_71, %add3A_184 : i32
        %mul3A_186 = arith.constant 8192 : i32
        %mul3A_187 = arith.muli %add3A_185, %mul3A_186 : i32
        %add3A_188 = arith.addi %mul3A_2, %mul3A_187 : i32
        %add3A_189 = arith.addi %mul3A_15, %mul3A_187 : i32
        %dma_start3A_190 = tpu.memref_slice %arg2[%add3A_188] : memref<33554432xf32, #tpu.memory_space<hbm>> -> memref<8192xf32, #tpu.memory_space<hbm>>
        %dma_start3A_191 = tpu.memref_slice %arg2[%add3A_188] : memref<33554432xf32, #tpu.memory_space<hbm>> -> memref<8192xf32, #tpu.memory_space<hbm>>
        tpu.enqueue_dma source(%dma_start3A_191 : memref<8192xf32, #tpu.memory_space<hbm>>) target(%arg5 : memref<8192xf32, #tpu.memory_space<vmem>>) target_semaphore(%arg17 : memref<!tpu.dma_semaphore, #tpu.memory_space<semaphore_mem>>)
        %dma_start3A_192 = tpu.memref_slice %arg3[%add3A_189] : memref<8388608xf32, #tpu.memory_space<hbm>> -> memref<8192xf32, #tpu.memory_space<hbm>>
        %dma_start3A_193 = tpu.memref_slice %arg3[%add3A_189] : memref<8388608xf32, #tpu.memory_space<hbm>> -> memref<8192xf32, #tpu.memory_space<hbm>>
        tpu.enqueue_dma source(%dma_start3A_193 : memref<8192xf32, #tpu.memory_space<hbm>>) target(%arg9 : memref<8192xf32, #tpu.memory_space<vmem>>) target_semaphore(%arg21 : memref<!tpu.dma_semaphore, #tpu.memory_space<semaphore_mem>>)
      } else {
      }
      %mul3A_94 = arith.constant 4 : i32
      %mul3A_95 = arith.muli %scan3A_67, %mul3A_94 : i32
      %add3A_96 = arith.constant 1 : i32
      %add3A_97 = arith.addi %mul3A_95, %add3A_96 : i32
      %mul3A_98 = arith.constant 8192 : i32
      %mul3A_99 = arith.muli %add3A_97, %mul3A_98 : i32
      %add3A_100 = arith.addi %mul3A_2, %mul3A_99 : i32
      %add3A_101 = arith.addi %mul3A_15, %mul3A_99 : i32
      %dma_wait3A_102 = tpu.memref_slice %arg2[%add3A_100] : memref<33554432xf32, #tpu.memory_space<hbm>> -> memref<8192xf32, #tpu.memory_space<hbm>>
      %dma_wait3A_103 = tpu.memref_slice %arg2[%add3A_100] : memref<33554432xf32, #tpu.memory_space<hbm>> -> memref<8192xf32, #tpu.memory_space<hbm>>
      tpu.wait_dma2 semaphore(%arg18 : memref<!tpu.dma_semaphore, #tpu.memory_space<semaphore_mem>>) src(%dma_wait3A_103 : memref<8192xf32, #tpu.memory_space<hbm>>) dst(%arg6 : memref<8192xf32, #tpu.memory_space<vmem>>)
      %dma_wait3A_104 = tpu.memref_slice %arg3[%add3A_101] : memref<8388608xf32, #tpu.memory_space<hbm>> -> memref<8192xf32, #tpu.memory_space<hbm>>
      %dma_wait3A_105 = tpu.memref_slice %arg3[%add3A_101] : memref<8388608xf32, #tpu.memory_space<hbm>> -> memref<8192xf32, #tpu.memory_space<hbm>>
      tpu.wait_dma2 semaphore(%arg22 : memref<!tpu.dma_semaphore, #tpu.memory_space<semaphore_mem>>) src(%dma_wait3A_105 : memref<8192xf32, #tpu.memory_space<hbm>>) dst(%arg10 : memref<8192xf32, #tpu.memory_space<vmem>>)
      %ge3A_106 = arith.constant 1 : i32
      %ge3A_107 = arith.cmpi sge, %scan3A_67, %ge3A_106 : i32
      %convert_element_type3A_108 = arith.extui %ge3A_107 : i1 to i32
      %cond3A_109 = arith.constant 0 : i32
      %cond3A_110 = arith.cmpi ne, %convert_element_type3A_108, %cond3A_109 : i32
      scf.if %cond3A_110 {
        %sub3A = arith.constant 4 : i32
        %sub3A_184 = arith.subi %add3A_97, %sub3A : i32
        %mul3A_185 = arith.constant 8192 : i32
        %mul3A_186 = arith.muli %sub3A_184, %mul3A_185 : i32
        %add3A_187 = arith.addi %mul3A_2, %mul3A_186 : i32
        %dma_wait3A_188 = tpu.memref_slice %arg4[%add3A_187] : memref<33554432xf32, #tpu.memory_space<hbm>> -> memref<8192xf32, #tpu.memory_space<hbm>>
        %dma_wait3A_189 = tpu.memref_slice %arg4[%add3A_187] : memref<33554432xf32, #tpu.memory_space<hbm>> -> memref<8192xf32, #tpu.memory_space<hbm>>
        tpu.wait_dma2 semaphore(%arg26 : memref<!tpu.dma_semaphore, #tpu.memory_space<semaphore_mem>>) src(%arg14 : memref<8192xf32, #tpu.memory_space<vmem>>) dst(%dma_wait3A_189 : memref<8192xf32, #tpu.memory_space<hbm>>)
      } else {
      }
      %parallel_loop3A_111 = arith.constant 0 : i32
      %parallel_loop3A_112 = arith.constant 512 : i32
      %parallel_loop3A_113 = arith.constant 1 : i32
      scf.for %parallel_loop3A_184 = %parallel_loop3A_111 to %parallel_loop3A_112 step %parallel_loop3A_113  : i32 {
        %parallel_loop3A_185 = arith.constant 16 : i32
        %parallel_loop3A_186 = arith.muli %parallel_loop3A_184, %parallel_loop3A_185 : i32
        %parallel_loop3A_187 = arith.index_cast %parallel_loop3A_186 : i32 to index
        %parallel_loop3A_188 = tpu.vector_load %arg6[%parallel_loop3A_187] {strides = array<i32>} : memref<8192xf32, #tpu.memory_space<vmem>>, vector<16xf32>,
        %parallel_loop3A_189 = vector.shape_cast %parallel_loop3A_188 : vector<16xf32> to vector<16xf32>
        %parallel_loop3A_190 = arith.index_cast %parallel_loop3A_186 : i32 to index
        %parallel_loop3A_191 = tpu.vector_load %arg10[%parallel_loop3A_190] {strides = array<i32>} : memref<8192xf32, #tpu.memory_space<vmem>>, vector<16xf32>,
        %parallel_loop3A_192 = vector.shape_cast %parallel_loop3A_191 : vector<16xf32> to vector<16xf32>
        %parallel_loop3A_193 = arith.addf %parallel_loop3A_189, %parallel_loop3A_192 : vector<16xf32>
        %parallel_loop3A_194 = arith.index_cast %parallel_loop3A_186 : i32 to index
        %parallel_loop3A_195 = tpu.vector_load %arg14[%parallel_loop3A_194] {strides = array<i32>} : memref<8192xf32, #tpu.memory_space<vmem>>, vector<16xf32>,
        %parallel_loop3A_196 = vector.shape_cast %parallel_loop3A_195 : vector<16xf32> to vector<16xf32>
        %parallel_loop3A_197 = vector.shape_cast %parallel_loop3A_193 : vector<16xf32> to vector<16xf32>
        tpu.vector_store %arg14[%parallel_loop3A_194], %parallel_loop3A_197 {strides = array<i32>} : memref<8192xf32, #tpu.memory_space<vmem>>, vector<16xf32>,
      } {sc.loop_unroll_factor = 8 : i64, sc.parallel_access}
      %mul3A_114 = arith.constant 8192 : i32
      %mul3A_115 = arith.muli %add3A_97, %mul3A_114 : i32
      %add3A_116 = arith.addi %mul3A_2, %mul3A_115 : i32
      %dma_start3A_117 = tpu.memref_slice %arg4[%add3A_116] : memref<33554432xf32, #tpu.memory_space<hbm>> -> memref<8192xf32, #tpu.memory_space<hbm>>
      %dma_start3A_118 = tpu.memref_slice %arg4[%add3A_116] : memref<33554432xf32, #tpu.memory_space<hbm>> -> memref<8192xf32, #tpu.memory_space<hbm>>
      tpu.enqueue_dma source(%arg14 : memref<8192xf32, #tpu.memory_space<vmem>>) target(%dma_start3A_118 : memref<8192xf32, #tpu.memory_space<hbm>>) target_semaphore(%arg26 : memref<!tpu.dma_semaphore, #tpu.memory_space<semaphore_mem>>)
      %lt3A_119 = arith.constant 31 : i32
      %lt3A_120 = arith.cmpi slt, %scan3A_67, %lt3A_119 : i32
      %convert_element_type3A_121 = arith.extui %lt3A_120 : i1 to i32
      %cond3A_122 = arith.constant 0 : i32
      %cond3A_123 = arith.cmpi ne, %convert_element_type3A_121, %cond3A_122 : i32
      scf.if %cond3A_123 {
        %add3A_184 = arith.constant 4 : i32
        %add3A_185 = arith.addi %add3A_97, %add3A_184 : i32
        %mul3A_186 = arith.constant 8192 : i32
        %mul3A_187 = arith.muli %add3A_185, %mul3A_186 : i32
        %add3A_188 = arith.addi %mul3A_2, %mul3A_187 : i32
        %add3A_189 = arith.addi %mul3A_15, %mul3A_187 : i32
        %dma_start3A_190 = tpu.memref_slice %arg2[%add3A_188] : memref<33554432xf32, #tpu.memory_space<hbm>> -> memref<8192xf32, #tpu.memory_space<hbm>>
        %dma_start3A_191 = tpu.memref_slice %arg2[%add3A_188] : memref<33554432xf32, #tpu.memory_space<hbm>> -> memref<8192xf32, #tpu.memory_space<hbm>>
        tpu.enqueue_dma source(%dma_start3A_191 : memref<8192xf32, #tpu.memory_space<hbm>>) target(%arg6 : memref<8192xf32, #tpu.memory_space<vmem>>) target_semaphore(%arg18 : memref<!tpu.dma_semaphore, #tpu.memory_space<semaphore_mem>>)
        %dma_start3A_192 = tpu.memref_slice %arg3[%add3A_189] : memref<8388608xf32, #tpu.memory_space<hbm>> -> memref<8192xf32, #tpu.memory_space<hbm>>
        %dma_start3A_193 = tpu.memref_slice %arg3[%add3A_189] : memref<8388608xf32, #tpu.memory_space<hbm>> -> memref<8192xf32, #tpu.memory_space<hbm>>
        tpu.enqueue_dma source(%dma_start3A_193 : memref<8192xf32, #tpu.memory_space<hbm>>) target(%arg10 : memref<8192xf32, #tpu.memory_space<vmem>>) target_semaphore(%arg22 : memref<!tpu.dma_semaphore, #tpu.memory_space<semaphore_mem>>)
      } else {
      }
      %mul3A_124 = arith.constant 4 : i32
      %mul3A_125 = arith.muli %scan3A_67, %mul3A_124 : i32
      %add3A_126 = arith.constant 2 : i32
      %add3A_127 = arith.addi %mul3A_125, %add3A_126 : i32
      %mul3A_128 = arith.constant 8192 : i32
      %mul3A_129 = arith.muli %add3A_127, %mul3A_128 : i32
      %add3A_130 = arith.addi %mul3A_2, %mul3A_129 : i32
      %add3A_131 = arith.addi %mul3A_15, %mul3A_129 : i32
      %dma_wait3A_132 = tpu.memref_slice %arg2[%add3A_130] : memref<33554432xf32, #tpu.memory_space<hbm>> -> memref<8192xf32, #tpu.memory_space<hbm>>
      %dma_wait3A_133 = tpu.memref_slice %arg2[%add3A_130] : memref<33554432xf32, #tpu.memory_space<hbm>> -> memref<8192xf32, #tpu.memory_space<hbm>>
      tpu.wait_dma2 semaphore(%arg19 : memref<!tpu.dma_semaphore, #tpu.memory_space<semaphore_mem>>) src(%dma_wait3A_133 : memref<8192xf32, #tpu.memory_space<hbm>>) dst(%arg7 : memref<8192xf32, #tpu.memory_space<vmem>>)
      %dma_wait3A_134 = tpu.memref_slice %arg3[%add3A_131] : memref<8388608xf32, #tpu.memory_space<hbm>> -> memref<8192xf32, #tpu.memory_space<hbm>>
      %dma_wait3A_135 = tpu.memref_slice %arg3[%add3A_131] : memref<8388608xf32, #tpu.memory_space<hbm>> -> memref<8192xf32, #tpu.memory_space<hbm>>
      tpu.wait_dma2 semaphore(%arg23 : memref<!tpu.dma_semaphore, #tpu.memory_space<semaphore_mem>>) src(%dma_wait3A_135 : memref<8192xf32, #tpu.memory_space<hbm>>) dst(%arg11 : memref<8192xf32, #tpu.memory_space<vmem>>)
      %ge3A_136 = arith.constant 1 : i32
      %ge3A_137 = arith.cmpi sge, %scan3A_67, %ge3A_136 : i32
      %convert_element_type3A_138 = arith.extui %ge3A_137 : i1 to i32
      %cond3A_139 = arith.constant 0 : i32
      %cond3A_140 = arith.cmpi ne, %convert_element_type3A_138, %cond3A_139 : i32
      scf.if %cond3A_140 {
        %sub3A = arith.constant 4 : i32
        %sub3A_184 = arith.subi %add3A_127, %sub3A : i32
        %mul3A_185 = arith.constant 8192 : i32
        %mul3A_186 = arith.muli %sub3A_184, %mul3A_185 : i32
        %add3A_187 = arith.addi %mul3A_2, %mul3A_186 : i32
        %dma_wait3A_188 = tpu.memref_slice %arg4[%add3A_187] : memref<33554432xf32, #tpu.memory_space<hbm>> -> memref<8192xf32, #tpu.memory_space<hbm>>
        %dma_wait3A_189 = tpu.memref_slice %arg4[%add3A_187] : memref<33554432xf32, #tpu.memory_space<hbm>> -> memref<8192xf32, #tpu.memory_space<hbm>>
        tpu.wait_dma2 semaphore(%arg27 : memref<!tpu.dma_semaphore, #tpu.memory_space<semaphore_mem>>) src(%arg15 : memref<8192xf32, #tpu.memory_space<vmem>>) dst(%dma_wait3A_189 : memref<8192xf32, #tpu.memory_space<hbm>>)
      } else {
      }
      %parallel_loop3A_141 = arith.constant 0 : i32
      %parallel_loop3A_142 = arith.constant 512 : i32
      %parallel_loop3A_143 = arith.constant 1 : i32
      scf.for %parallel_loop3A_184 = %parallel_loop3A_141 to %parallel_loop3A_142 step %parallel_loop3A_143  : i32 {
        %parallel_loop3A_185 = arith.constant 16 : i32
        %parallel_loop3A_186 = arith.muli %parallel_loop3A_184, %parallel_loop3A_185 : i32
        %parallel_loop3A_187 = arith.index_cast %parallel_loop3A_186 : i32 to index
        %parallel_loop3A_188 = tpu.vector_load %arg7[%parallel_loop3A_187] {strides = array<i32>} : memref<8192xf32, #tpu.memory_space<vmem>>, vector<16xf32>,
        %parallel_loop3A_189 = vector.shape_cast %parallel_loop3A_188 : vector<16xf32> to vector<16xf32>
        %parallel_loop3A_190 = arith.index_cast %parallel_loop3A_186 : i32 to index
        %parallel_loop3A_191 = tpu.vector_load %arg11[%parallel_loop3A_190] {strides = array<i32>} : memref<8192xf32, #tpu.memory_space<vmem>>, vector<16xf32>,
        %parallel_loop3A_192 = vector.shape_cast %parallel_loop3A_191 : vector<16xf32> to vector<16xf32>
        %parallel_loop3A_193 = arith.addf %parallel_loop3A_189, %parallel_loop3A_192 : vector<16xf32>
        %parallel_loop3A_194 = arith.index_cast %parallel_loop3A_186 : i32 to index
        %parallel_loop3A_195 = tpu.vector_load %arg15[%parallel_loop3A_194] {strides = array<i32>} : memref<8192xf32, #tpu.memory_space<vmem>>, vector<16xf32>,
        %parallel_loop3A_196 = vector.shape_cast %parallel_loop3A_195 : vector<16xf32> to vector<16xf32>
        %parallel_loop3A_197 = vector.shape_cast %parallel_loop3A_193 : vector<16xf32> to vector<16xf32>
        tpu.vector_store %arg15[%parallel_loop3A_194], %parallel_loop3A_197 {strides = array<i32>} : memref<8192xf32, #tpu.memory_space<vmem>>, vector<16xf32>,
      } {sc.loop_unroll_factor = 8 : i64, sc.parallel_access}
      %mul3A_144 = arith.constant 8192 : i32
      %mul3A_145 = arith.muli %add3A_127, %mul3A_144 : i32
      %add3A_146 = arith.addi %mul3A_2, %mul3A_145 : i32
      %dma_start3A_147 = tpu.memref_slice %arg4[%add3A_146] : memref<33554432xf32, #tpu.memory_space<hbm>> -> memref<8192xf32, #tpu.memory_space<hbm>>
      %dma_start3A_148 = tpu.memref_slice %arg4[%add3A_146] : memref<33554432xf32, #tpu.memory_space<hbm>> -> memref<8192xf32, #tpu.memory_space<hbm>>
      tpu.enqueue_dma source(%arg15 : memref<8192xf32, #tpu.memory_space<vmem>>) target(%dma_start3A_148 : memref<8192xf32, #tpu.memory_space<hbm>>) target_semaphore(%arg27 : memref<!tpu.dma_semaphore, #tpu.memory_space<semaphore_mem>>)
      %lt3A_149 = arith.constant 31 : i32
      %lt3A_150 = arith.cmpi slt, %scan3A_67, %lt3A_149 : i32
      %convert_element_type3A_151 = arith.extui %lt3A_150 : i1 to i32
      %cond3A_152 = arith.constant 0 : i32
      %cond3A_153 = arith.cmpi ne, %convert_element_type3A_151, %cond3A_152 : i32
      scf.if %cond3A_153 {
        %add3A_184 = arith.constant 4 : i32
        %add3A_185 = arith.addi %add3A_127, %add3A_184 : i32
        %mul3A_186 = arith.constant 8192 : i32
        %mul3A_187 = arith.muli %add3A_185, %mul3A_186 : i32
        %add3A_188 = arith.addi %mul3A_2, %mul3A_187 : i32
        %add3A_189 = arith.addi %mul3A_15, %mul3A_187 : i32
        %dma_start3A_190 = tpu.memref_slice %arg2[%add3A_188] : memref<33554432xf32, #tpu.memory_space<hbm>> -> memref<8192xf32, #tpu.memory_space<hbm>>
        %dma_start3A_191 = tpu.memref_slice %arg2[%add3A_188] : memref<33554432xf32, #tpu.memory_space<hbm>> -> memref<8192xf32, #tpu.memory_space<hbm>>
        tpu.enqueue_dma source(%dma_start3A_191 : memref<8192xf32, #tpu.memory_space<hbm>>) target(%arg7 : memref<8192xf32, #tpu.memory_space<vmem>>) target_semaphore(%arg19 : memref<!tpu.dma_semaphore, #tpu.memory_space<semaphore_mem>>)
        %dma_start3A_192 = tpu.memref_slice %arg3[%add3A_189] : memref<8388608xf32, #tpu.memory_space<hbm>> -> memref<8192xf32, #tpu.memory_space<hbm>>
        %dma_start3A_193 = tpu.memref_slice %arg3[%add3A_189] : memref<8388608xf32, #tpu.memory_space<hbm>> -> memref<8192xf32, #tpu.memory_space<hbm>>
        tpu.enqueue_dma source(%dma_start3A_193 : memref<8192xf32, #tpu.memory_space<hbm>>) target(%arg11 : memref<8192xf32, #tpu.memory_space<vmem>>) target_semaphore(%arg23 : memref<!tpu.dma_semaphore, #tpu.memory_space<semaphore_mem>>)
      } else {
      }
      %mul3A_154 = arith.constant 4 : i32
      %mul3A_155 = arith.muli %scan3A_67, %mul3A_154 : i32
      %add3A_156 = arith.constant 3 : i32
      %add3A_157 = arith.addi %mul3A_155, %add3A_156 : i32
      %mul3A_158 = arith.constant 8192 : i32
      %mul3A_159 = arith.muli %add3A_157, %mul3A_158 : i32
      %add3A_160 = arith.addi %mul3A_2, %mul3A_159 : i32
      %add3A_161 = arith.addi %mul3A_15, %mul3A_159 : i32
      %dma_wait3A_162 = tpu.memref_slice %arg2[%add3A_160] : memref<33554432xf32, #tpu.memory_space<hbm>> -> memref<8192xf32, #tpu.memory_space<hbm>>
      %dma_wait3A_163 = tpu.memref_slice %arg2[%add3A_160] : memref<33554432xf32, #tpu.memory_space<hbm>> -> memref<8192xf32, #tpu.memory_space<hbm>>
      tpu.wait_dma2 semaphore(%arg20 : memref<!tpu.dma_semaphore, #tpu.memory_space<semaphore_mem>>) src(%dma_wait3A_163 : memref<8192xf32, #tpu.memory_space<hbm>>) dst(%arg8 : memref<8192xf32, #tpu.memory_space<vmem>>)
      %dma_wait3A_164 = tpu.memref_slice %arg3[%add3A_161] : memref<8388608xf32, #tpu.memory_space<hbm>> -> memref<8192xf32, #tpu.memory_space<hbm>>
      %dma_wait3A_165 = tpu.memref_slice %arg3[%add3A_161] : memref<8388608xf32, #tpu.memory_space<hbm>> -> memref<8192xf32, #tpu.memory_space<hbm>>
      tpu.wait_dma2 semaphore(%arg24 : memref<!tpu.dma_semaphore, #tpu.memory_space<semaphore_mem>>) src(%dma_wait3A_165 : memref<8192xf32, #tpu.memory_space<hbm>>) dst(%arg12 : memref<8192xf32, #tpu.memory_space<vmem>>)
      %ge3A_166 = arith.constant 1 : i32
      %ge3A_167 = arith.cmpi sge, %scan3A_67, %ge3A_166 : i32
      %convert_element_type3A_168 = arith.extui %ge3A_167 : i1 to i32
      %cond3A_169 = arith.constant 0 : i32
      %cond3A_170 = arith.cmpi ne, %convert_element_type3A_168, %cond3A_169 : i32
      scf.if %cond3A_170 {
        %sub3A = arith.constant 4 : i32
        %sub3A_184 = arith.subi %add3A_157, %sub3A : i32
        %mul3A_185 = arith.constant 8192 : i32
        %mul3A_186 = arith.muli %sub3A_184, %mul3A_185 : i32
        %add3A_187 = arith.addi %mul3A_2, %mul3A_186 : i32
        %dma_wait3A_188 = tpu.memref_slice %arg4[%add3A_187] : memref<33554432xf32, #tpu.memory_space<hbm>> -> memref<8192xf32, #tpu.memory_space<hbm>>
        %dma_wait3A_189 = tpu.memref_slice %arg4[%add3A_187] : memref<33554432xf32, #tpu.memory_space<hbm>> -> memref<8192xf32, #tpu.memory_space<hbm>>
        tpu.wait_dma2 semaphore(%arg28 : memref<!tpu.dma_semaphore, #tpu.memory_space<semaphore_mem>>) src(%arg16 : memref<8192xf32, #tpu.memory_space<vmem>>) dst(%dma_wait3A_189 : memref<8192xf32, #tpu.memory_space<hbm>>)
      } else {
      }
      %parallel_loop3A_171 = arith.constant 0 : i32
      %parallel_loop3A_172 = arith.constant 512 : i32
      %parallel_loop3A_173 = arith.constant 1 : i32
      scf.for %parallel_loop3A_184 = %parallel_loop3A_171 to %parallel_loop3A_172 step %parallel_loop3A_173  : i32 {
        %parallel_loop3A_185 = arith.constant 16 : i32
        %parallel_loop3A_186 = arith.muli %parallel_loop3A_184, %parallel_loop3A_185 : i32
        %parallel_loop3A_187 = arith.index_cast %parallel_loop3A_186 : i32 to index
        %parallel_loop3A_188 = tpu.vector_load %arg8[%parallel_loop3A_187] {strides = array<i32>} : memref<8192xf32, #tpu.memory_space<vmem>>, vector<16xf32>,
        %parallel_loop3A_189 = vector.shape_cast %parallel_loop3A_188 : vector<16xf32> to vector<16xf32>
        %parallel_loop3A_190 = arith.index_cast %parallel_loop3A_186 : i32 to index
        %parallel_loop3A_191 = tpu.vector_load %arg12[%parallel_loop3A_190] {strides = array<i32>} : memref<8192xf32, #tpu.memory_space<vmem>>, vector<16xf32>,
        %parallel_loop3A_192 = vector.shape_cast %parallel_loop3A_191 : vector<16xf32> to vector<16xf32>
        %parallel_loop3A_193 = arith.addf %parallel_loop3A_189, %parallel_loop3A_192 : vector<16xf32>
        %parallel_loop3A_194 = arith.index_cast %parallel_loop3A_186 : i32 to index
        %parallel_loop3A_195 = tpu.vector_load %arg16[%parallel_loop3A_194] {strides = array<i32>} : memref<8192xf32, #tpu.memory_space<vmem>>, vector<16xf32>,
        %parallel_loop3A_196 = vector.shape_cast %parallel_loop3A_195 : vector<16xf32> to vector<16xf32>
        %parallel_loop3A_197 = vector.shape_cast %parallel_loop3A_193 : vector<16xf32> to vector<16xf32>
        tpu.vector_store %arg16[%parallel_loop3A_194], %parallel_loop3A_197 {strides = array<i32>} : memref<8192xf32, #tpu.memory_space<vmem>>, vector<16xf32>,
      } {sc.loop_unroll_factor = 8 : i64, sc.parallel_access}
      %mul3A_174 = arith.constant 8192 : i32
      %mul3A_175 = arith.muli %add3A_157, %mul3A_174 : i32
      %add3A_176 = arith.addi %mul3A_2, %mul3A_175 : i32
      %dma_start3A_177 = tpu.memref_slice %arg4[%add3A_176] : memref<33554432xf32, #tpu.memory_space<hbm>> -> memref<8192xf32, #tpu.memory_space<hbm>>
      %dma_start3A_178 = tpu.memref_slice %arg4[%add3A_176] : memref<33554432xf32, #tpu.memory_space<hbm>> -> memref<8192xf32, #tpu.memory_space<hbm>>
      tpu.enqueue_dma source(%arg16 : memref<8192xf32, #tpu.memory_space<vmem>>) target(%dma_start3A_178 : memref<8192xf32, #tpu.memory_space<hbm>>) target_semaphore(%arg28 : memref<!tpu.dma_semaphore, #tpu.memory_space<semaphore_mem>>)
      %lt3A_179 = arith.constant 31 : i32
      %lt3A_180 = arith.cmpi slt, %scan3A_67, %lt3A_179 : i32
      %convert_element_type3A_181 = arith.extui %lt3A_180 : i1 to i32
      %cond3A_182 = arith.constant 0 : i32
      %cond3A_183 = arith.cmpi ne, %convert_element_type3A_181, %cond3A_182 : i32
      scf.if %cond3A_183 {
        %add3A_184 = arith.constant 4 : i32
        %add3A_185 = arith.addi %add3A_157, %add3A_184 : i32
        %mul3A_186 = arith.constant 8192 : i32
        %mul3A_187 = arith.muli %add3A_185, %mul3A_186 : i32
        %add3A_188 = arith.addi %mul3A_2, %mul3A_187 : i32
        %add3A_189 = arith.addi %mul3A_15, %mul3A_187 : i32
        %dma_start3A_190 = tpu.memref_slice %arg2[%add3A_188] : memref<33554432xf32, #tpu.memory_space<hbm>> -> memref<8192xf32, #tpu.memory_space<hbm>>
        %dma_start3A_191 = tpu.memref_slice %arg2[%add3A_188] : memref<33554432xf32, #tpu.memory_space<hbm>> -> memref<8192xf32, #tpu.memory_space<hbm>>
        tpu.enqueue_dma source(%dma_start3A_191 : memref<8192xf32, #tpu.memory_space<hbm>>) target(%arg8 : memref<8192xf32, #tpu.memory_space<vmem>>) target_semaphore(%arg20 : memref<!tpu.dma_semaphore, #tpu.memory_space<semaphore_mem>>)
        %dma_start3A_192 = tpu.memref_slice %arg3[%add3A_189] : memref<8388608xf32, #tpu.memory_space<hbm>> -> memref<8192xf32, #tpu.memory_space<hbm>>
        %dma_start3A_193 = tpu.memref_slice %arg3[%add3A_189] : memref<8388608xf32, #tpu.memory_space<hbm>> -> memref<8192xf32, #tpu.memory_space<hbm>>
        tpu.enqueue_dma source(%dma_start3A_193 : memref<8192xf32, #tpu.memory_space<hbm>>) target(%arg12 : memref<8192xf32, #tpu.memory_space<vmem>>) target_semaphore(%arg24 : memref<!tpu.dma_semaphore, #tpu.memory_space<semaphore_mem>>)
      } else {
      }
    }
    %scan3A_51 = arith.constant 32 : i32
    %add3A_52 = arith.constant 1015808 : i32
    %add3A_53 = arith.addi %mul3A_2, %add3A_52 : i32
    %dma_wait3A = tpu.memref_slice %arg4[%add3A_53] : memref<33554432xf32, #tpu.memory_space<hbm>> -> memref<8192xf32, #tpu.memory_space<hbm>>
    %dma_wait3A_54 = tpu.memref_slice %arg4[%add3A_53] : memref<33554432xf32, #tpu.memory_space<hbm>> -> memref<8192xf32, #tpu.memory_space<hbm>>
    tpu.wait_dma2 semaphore(%arg25 : memref<!tpu.dma_semaphore, #tpu.memory_space<semaphore_mem>>) src(%arg13 : memref<8192xf32, #tpu.memory_space<vmem>>) dst(%dma_wait3A_54 : memref<8192xf32, #tpu.memory_space<hbm>>)
    %add3A_55 = arith.constant 1024000 : i32
    %add3A_56 = arith.addi %mul3A_2, %add3A_55 : i32
    %dma_wait3A_57 = tpu.memref_slice %arg4[%add3A_56] : memref<33554432xf32, #tpu.memory_space<hbm>> -> memref<8192xf32, #tpu.memory_space<hbm>>
    %dma_wait3A_58 = tpu.memref_slice %arg4[%add3A_56] : memref<33554432xf32, #tpu.memory_space<hbm>> -> memref<8192xf32, #tpu.memory_space<hbm>>
    tpu.wait_dma2 semaphore(%arg26 : memref<!tpu.dma_semaphore, #tpu.memory_space<semaphore_mem>>) src(%arg14 : memref<8192xf32, #tpu.memory_space<vmem>>) dst(%dma_wait3A_58 : memref<8192xf32, #tpu.memory_space<hbm>>)
    %add3A_59 = arith.constant 1032192 : i32
    %add3A_60 = arith.addi %mul3A_2, %add3A_59 : i32
    %dma_wait3A_61 = tpu.memref_slice %arg4[%add3A_60] : memref<33554432xf32, #tpu.memory_space<hbm>> -> memref<8192xf32, #tpu.memory_space<hbm>>
    %dma_wait3A_62 = tpu.memref_slice %arg4[%add3A_60] : memref<33554432xf32, #tpu.memory_space<hbm>> -> memref<8192xf32, #tpu.memory_space<hbm>>
    tpu.wait_dma2 semaphore(%arg27 : memref<!tpu.dma_semaphore, #tpu.memory_space<semaphore_mem>>) src(%arg15 : memref<8192xf32, #tpu.memory_space<vmem>>) dst(%dma_wait3A_62 : memref<8192xf32, #tpu.memory_space<hbm>>)
    %add3A_63 = arith.constant 1040384 : i32
    %add3A_64 = arith.addi %mul3A_2, %add3A_63 : i32
    %dma_wait3A_65 = tpu.memref_slice %arg4[%add3A_64] : memref<33554432xf32, #tpu.memory_space<hbm>> -> memref<8192xf32, #tpu.memory_space<hbm>>
    %dma_wait3A_66 = tpu.memref_slice %arg4[%add3A_64] : memref<33554432xf32, #tpu.memory_space<hbm>> -> memref<8192xf32, #tpu.memory_space<hbm>>
    tpu.wait_dma2 semaphore(%arg28 : memref<!tpu.dma_semaphore, #tpu.memory_space<semaphore_mem>>) src(%arg16 : memref<8192xf32, #tpu.memory_space<vmem>>) dst(%dma_wait3A_66 : memref<8192xf32, #tpu.memory_space<hbm>>)
    return
  }
}

</mosaic_0001>

<sc_bundles>
// kernel: kernel.3.cloned.1.call-start
scs
__scs_entry_jumppad:
0x0: {  	(pc) =	sbr.rel $0x88, $3  }
0x1: {  	(tag) =	ssettag $0x0;
	lr =	simm.s32 $0x1  }
0x2: {  	[smem:$0x3F9F] =	sst lr;
	_ =	strace $0xD0000000  }
0x3: {  	_ = 	snop  }
0x4: {  	_ = 	snop  }
0x5: {  	_ = 	snop  }
0x6: {  	_ = 	snop  }
0x7: {  	_ = 	snop  }
__scs_overlays_trampoline_lowered:
0x8: {  	[smem:$0x3FAE] =	sst s0  }
0x9: {  	[smem:$0x3FAF] =	sst s1  }
0xa: {  	[smem:$0x3FB0] =	sst s2  }
0xb: {  	[smem:$0x3FB1] =	sst s3  }
0xc: {  	[smem:$0x3FB2] =	sst s4  }
0xd: {  	[smem:$0x3FB3] =	sst s5  }
0xe: {  	[smem:$0x3FB4] =	sst s6  }
0xf: {  	[smem:$0x3FB5] =	sst s7  }
0x10: {  	[smem:$0x3FB6] =	sst s8  }
0x11: {  	[smem:$0x3FB7] =	sst s9;
	s0 =	simm.s32 @!p0 $0x0  }
0x12: {  	s1 =	sld [smem:$0x3F9D];
	s0 =	simm.s32 @p0 $0x1  }
0x13: {  	[smem:$0x3FB8] =	sst s0;
	s0 =	simm.s32 @!p1 $0x0  }
0x14: {  	s2 =	sld [smem:$0x3F9C];
	s0 =	simm.s32 @p1 $0x1  }
0x15: {  	[smem:$0x3FB9] =	sst s0;
	s0 =	simm.s32 @!p2 $0x0  }
0x16: {  	s3 =	sld [smem:$0x3FDB];
	s0 =	simm.s32 @p2 $0x1  }
0x17: {  	s4 =	simm.s32 $0x1BF5;
	[smem:$0x3FBB] =	sst s0  }
0x18: {  	s0 =	sld [smem:$0x3F9E];
	_ =	swait.ge [sflag:s4], $0x0  }
0x19: {  	s7 =	sld [smem:$0x3F9F]  }
0x1a: {  	s8 =	sadd.s32 $0xFFFFE003, lr  }
0x1b: {  	s9 =	sadd.s32 $0xFFFFFEF7, lr;
	s5 =	simm.s32 $0xFFFFFFFF;
	p2 =	slt.u32 s8, $0xFFFFF086  }
0x1c: {  	p1 =	slt.u32 s9, $0xF7A;
	s5 =	simm.s32 @!p2 $0x0  }
0x1d: {  	s5 =	simm.s32 @p1 $0x1;
	p0 =	seq.s32 s7, s2  }
0x1e: {  	s7 =	smul.u32 @!p0 $0xF7A, s2;
	p2 =	seq.s32 @!p0 s5, $0x0  }
0x1f: {  	s9 =	smul.u32 $0xF7A, s1;
	s8 =	simm.s32 @!p0 $0x1BF5;
	p2 =	por !p2, p0  }
0x20: {  	[sflag:s8] =	ssyncset.s32 @!p0 $0xFFFFF086;
	s6 =	sadd.s32 @!p0 s3, s7;
	s7 =	simm.s32 @!p0 $0x108  }
0x21: {  	s3 =	sadd.s32 s3, s9;
	s6 =	sadd.s32 @!p0 $0x88, s6;
	s7 =	simm.s32 @p2 $0x1082  }
0x22: {  	[simem:s7], [sflag:s8] =	dma.local @!p0 [hbm:s6], $0xF7A  }
0x23: {  	s9 =	sor.u32 $0xD0000000, s2;
	s6 =	simm.s32 $0x108;
	_ =	swait.ge @!p0 [sflag:s8], $0x0  }
0x24: {  	s3 =	sadd.s32 $0x88, s3;
	s6 =	simm.s32 @!p1 $0x1082;
	[sflag:s4] =	ssyncset.s32 $0xFFFFF086  }
0x25: {  	[simem:s6], [sflag:s4] =	dma.local [hbm:s3], $0xF7A  }
0x26: {  	[smem:$0x3F9F] =	sst s1;
	(tag) =	ssettag s2;
	_ =	strace s9  }
0x27: {  	s1 =	sld [smem:$0x3FAF]  }
0x28: {  	s2 =	sld [smem:$0x3FB0]  }
0x29: {  	s4 =	sld [smem:$0x3FB2]  }
0x2a: {  	p0 =	seq.s32 s5, $0x0;
	s5 =	sld [smem:$0x3FB3]  }
0x2b: {  	s6 =	sld [smem:$0x3FB4]  }
0x2c: {  	s7 =	sld [smem:$0x3FB5]  }
0x2d: {  	s3 =	simm.s32 $0x108;
	s8 =	sld [smem:$0x3FB6]  }
0x2e: {  	s3 =	simm.s32 @!p0 $0x1082;
	s9 =	sld [smem:$0x3FB7]  }
0x2f: {  	lr =	sadd.s32 s0, s3;
	s0 =	sld [smem:$0x3FAE]  }
0x30: {  	s3 =	sld [smem:$0x3FB1]  }
0x31: {  	[smem:$0x3FBA] =	sst s10  }
0x32: {  	s10 =	sld [smem:$0x3FB8];
	_ =	sdelay $0x3  }
0x33: {  	p0 =	seq.s32 s10, $0x1;
	s10 =	sld [smem:$0x3FBA];
	_ =	sdelay $0x3  }
0x34: {  	[smem:$0x3FBA] =	sst s10  }
0x35: {  	s10 =	sld [smem:$0x3FB9];
	_ =	sdelay $0x3  }
0x36: {  	p1 =	seq.s32 s10, $0x1;
	s10 =	sld [smem:$0x3FBA];
	_ =	sdelay $0x3  }
0x37: {  	[smem:$0x3FBA] =	sst s10  }
0x38: {  	s10 =	sld [smem:$0x3FBB]  }
0x39: {  	_ = 	snop;
	(pc) =	sbr.ind lr, $3  }
0x3a: {  	_ = 	snop  }
0x3b: {  	_ = 	snop  }
0x3c: {  	p2 =	seq.s32 s10, $0x1;
	s10 =	sld [smem:$0x3FBA]  }
0x3d: {  	_ =	shalt  }
0x3e: {  	_ =	shalt  }
0x3f: {  	_ =	shalt  }
0x40: {  	_ =	shalt  }
0x41: {  	_ =	shalt  }
0x42: {  	_ =	shalt  }
0x43: {  	_ =	shalt  }
0x44: {  	_ =	shalt  }
0x45: {  	_ =	shalt  }
0x46: {  	_ =	shalt  }
0x47: {  	_ =	shalt  }
0x48: {  	_ =	shalt  }
0x49: {  	_ =	shalt  }
0x4a: {  	_ =	shalt  }
0x4b: {  	_ =	shalt  }
0x4c: {  	_ =	shalt  }
0x4d: {  	_ =	shalt  }
0x4e: {  	_ =	shalt  }
0x4f: {  	_ =	shalt  }
0x50: {  	_ =	shalt  }
0x51: {  	_ =	shalt  }
0x52: {  	_ =	shalt  }
0x53: {  	_ =	shalt  }
0x54: {  	_ =	shalt  }
0x55: {  	_ =	shalt  }
0x56: {  	_ =	shalt  }
0x57: {  	_ =	shalt  }
0x58: {  	_ =	shalt  }
0x59: {  	_ =	shalt  }
0x5a: {  	_ =	shalt  }
0x5b: {  	_ =	shalt  }
0x5c: {  	_ =	shalt  }
0x5d: {  	_ =	shalt  }
0x5e: {  	_ =	shalt  }
0x5f: {  	_ =	shalt  }
0x60: {  	_ =	shalt  }
0x61: {  	_ =	shalt  }
0x62: {  	_ =	shalt  }
0x63: {  	_ =	shalt  }
0x64: {  	_ =	shalt  }
0x65: {  	_ =	shalt  }
0x66: {  	_ =	shalt  }
0x67: {  	_ =	shalt  }
0x68: {  	_ =	shalt  }
0x69: {  	_ =	shalt  }
0x6a: {  	_ =	shalt  }
0x6b: {  	_ =	shalt  }
0x6c: {  	_ =	shalt  }
0x6d: {  	_ =	shalt  }
0x6e: {  	_ =	shalt  }
0x6f: {  	_ =	shalt  }
0x70: {  	_ =	shalt  }
0x71: {  	_ =	shalt  }
0x72: {  	_ =	shalt  }
0x73: {  	_ =	shalt  }
0x74: {  	_ =	shalt  }
0x75: {  	_ =	shalt  }
0x76: {  	_ =	shalt  }
0x77: {  	_ =	shalt  }
0x78: {  	_ =	shalt  }
0x79: {  	_ =	shalt  }
0x7a: {  	_ =	shalt  }
0x7b: {  	_ =	shalt  }
0x7c: {  	_ =	shalt  }
0x7d: {  	_ =	shalt  }
0x7e: {  	_ =	shalt  }
0x7f: {  	_ =	shalt  }
0x80: {  	_ =	shalt  }
0x81: {  	_ =	shalt  }
0x82: {  	_ =	shalt  }
0x83: {  	_ =	shalt  }
0x84: {  	_ =	shalt  }
0x85: {  	_ =	shalt  }
0x86: {  	_ =	shalt  }
0x87: {  	_ =	shalt  }
.Lfunc_end0:
.L_simem_size_0:
called_computation.2_lowered:
.L_overlay_start_0:
0x88: {  	s2 =	sld [smem:$0x3FD9]  }
0x89: {  	s3 =	sld [smem:$0x3FFE];
	_ =	sdelay $0x1  }
0x8a: {  	s1 =	srdreg.scid  }
0x8b: {  	s0 =	sand.u32 $0x1, s1  }
0x8c: {  	s17 =	sshll.u32 s0, $0xA;
	s2 =	sadd.s32 s3, s2  }
0x8d: {  	s2 =	sadd.s32 s2, s17  }
0x8e: {  	[smem:$0x3FC6] =	sst s2  }
0x8f: {  	_ = 	snop  }
0x90: {  	s2 =	sld [smem:$0x3FD0];
	(tm) =	ssettm $0x1  }
0x91: {  	s18 =	sld [smem:$0x3FFB];
	_ =	sdelay $0x3  }
0x92: {  	_ =	strace s18  }
0x93: {  	s3 =	sld [smem:$0x3FFC];
	_ =	sdelay $0x3  }
0x94: {  	_ =	strace s3  }
0x95: {  	s3 =	sld [smem:$0x3FFD];
	_ =	sdelay $0x3  }
0x96: {  	_ =	strace s3  }
0x97: {  	_ =	strace $0x8FFFFFFF  }
0x98: {  	s19 =	sld [smem:$0x3FDB];
	_ =	sdelay $0x1  }
0x99: {  	s4 =	simm.s32 $_scs_section_size  }
0x9a: {  	s5 =	simm.s32 $_size__tile_overlayer_lowered;
	s6 =	simm.s32 $_tile_overlayer_lowered  }
0x9b: {  	s22 =	simm.s32 $0x1BFF;
	s21 =	sshll.u32 s6, $0x1;
	s3 =	sadd.s32 s4, s19  }
0x9c: {  	s7 =	simm.s32 $0x0;
	s20 =	sshll.u32 s5, $0x1;
	s5 =	sadd.s32 s21, s3  }
0x9d: {  	[timem:s7], [sflag:s22] =	dma.local [hbm:s5], s20  }
0x9e: {  	_ =	swait.ge [sflag:s22], s20  }
0x9f: {  	s4 =	ssub.s32 $0x0, s20;
	[sflag:s22] =	ssyncset.done $0x0  }
0xa0: {  	[sflag:s22] =	ssyncadd.s32 s4;
	_ =	sdelay $0x1  }
0xa1: {  	s23 =	simm.s32 $0x1B8B  }
0xa2: {  	_ =	swait.ge [sflag:s23], $0x1  }
0xa3: {  	[sflag:s23] =	ssyncset.done $0x0  }
0xa4: {  	s25 =	simm.s32 $0x1B8E;
	s24 =	sld [smem:$0x3FFE];
	[sflag:s23] =	ssyncadd.s32 $0xFFFFFFFF  }
0xa5: {  	s26 =	simm.s32 $execute0_lowered;
	[smem:$0x3FD2] =	sst s25  }
0xa6: {  	s5 =	sshll.u32 s26, $0x1;
	_ =	strace $0x8000004C;
	[dreg:$0x1] =	wrdreg $0xFFFFFFFF  }
0xa7: {  	s28 =	simm.s32 $_size_execute0_lowered;
	s3 =	sadd.s32 s3, s5;
	[dreg:$0x0] =	wrdreg $0x0  }
0xa8: {  	s5 =	sshll.u32 s28, $0x1;
	[dreg:$0x2] =	wrdreg s3  }
0xa9: {  	[dreg:$0x3] =	wrdreg s5  }
0xaa: {  	[dreg:$0x4] =	wrdreg $0xC0  }
0xab: {  	_ =	task [dreg:s7], $0x5FFFF  }
0xac: {  	[dreg:$0x1] =	wrdreg $0xFFFFFFFF  }
0xad: {  	[dreg:$0x0] =	wrdreg $0x60  }
0xae: {  	[dreg:$0x2] =	wrdreg s2  }
0xaf: {  	[dreg:$0x3] =	wrdreg s24  }
0xb0: {  	[dreg:$0x4] =	wrdreg $0x9  }
0xb1: {  	_ =	task.clear_ibuf [dreg:s7], $0x5FFFF;
	_ =	strace $0x9000004C  }
0xb2: {  	s29 =	simm.s32 $0x9;
	_ =	strace $0x8000004E  }
0xb3: {  	_ =	swait.ge [sflag:s29], $0x1  }
0xb4: {  	[sflag:s29] =	ssyncadd.s32 $0xFFFFFFFF  }
0xb5: {  	_ =	strace $0x9000004E  }
0xb6: {  	_ =	sfence  }
0xb7: {  	s30 =	sld [smem:$0x0];
	_ =	sdelay $0x2  }
0xb8: {  	s31 =	sshll.u32 s1, $0xD;
	s1 =	sshrl.u32 s1, $0x2  }
0xb9: {  	s3 =	sand.u32 $0x4000, s31;
	s1 =	sadd.s32 s1, s30  }
0xba: {  	s0 =	sor.u32 s3, s0;
	s1 =	sshll.u32 s1, $0x11  }
0xbb: {  	s0 =	sor.u32 s1, s0  }
0xbc: {  	s0 =	sadd.s32 $0x8F2B, s0  }
0xbd: {  	[sflag:s0] =	ssyncadd.remote.s32 $0x1  }
0xbe: {  	_ =	sfence.sel $0xFFFF  }
0xbf: {  	[dreg:$0x0] =	wrdreg $0xFFFFFFFF;
	(pc) =	sbr.abs _section_cstart, $3  }
0xc0: {  	[dreg:$0x1] =	wrdreg $0xFFFFFFFF  }
0xc1: {  	_ =	task.clear_ibuf [dreg:s7], $0x2FFFF;
	_ =	strace $0x9FFFFFFF  }
0xc2: {  	(tm) =	ssettm $0x7FFFFFFF  }
0xc3: {  	_ =	shalt  }
tec
execute0_lowered:
.L_overlay_start_1:
0x0: {  	(tag) =	ssettag $0x1  }
0x1: {  	s1 =	rddreg [dreg:$0x0]  }
0x2: {  	s0 =	rddreg [dreg:$0x1]  }
0x3: {  	s3 =	simm.s32 $0x0;
	s2 =	srdreg.scid;
	s4 =	stileid.u32  }
0x4: {  	s28 =	simm.s32 $0x2;
	s29 =	simm.s32 $0x6;
	s30 =	simm.s32 $0x12000  }
0x5: {  	s31 =	simm.s32 $0x3;
	s17 =	simm.s32 $0x4;
	s10 =	simm.s32 $0xB  }
0x6: {  	s11 =	simm.s32 $0xC;
	s12 =	simm.s32 $0x0;
	[smem:$0x7FF] =	sst s3  }
0x7: {  	s2 =	sand.u32 $0x1, s2;
	s4 =	sshll.u32 s4, $0x1;
	s5 =	sadd.s32 $0x100C00, s0  }
0x8: {  	_ =	strace $0x8000004D;
	s8 =	sor.u32 s2, s4;
	s4 =	sadd.s32 $0xC00, s0  }
0x9: {  	s18 =	ssub.s32 $0x2, s2;
	s6 =	sshll.u32 s8, $0x14;
	s19 =	sshll.u32 s8, $0x11  }
0xa: {  	s20 =	sshrl.u32 s18, $0x1;
	s7 =	sand.u32 $0x700000, s6;
	s9 =	sadd.s32 s1, s19  }
0xb: {  	s0 =	ssub.s32 s18, s20;
	s22 =	sadd.s32 $0x400, s9;
	[dreg:$0x3] =	wrdreg s9  }
0xc: {  	s18 =	simm.s32 $0x8;
	s24 =	sadd.s32 $0x800, s9;
	[dreg:$0x5] =	wrdreg s22  }
0xd: {  	s19 =	simm.s32 $0x16000;
	s26 =	sadd.s32 $0xC00, s9;
	[dreg:$0x7] =	wrdreg s24  }
0xe: {  	s21 =	sshrl.u32 s7, $0x3;
	s0 =	smax.u32 s0, $0x1;
	[dreg:$0x9] =	wrdreg s26  }
0xf: {  	s2 =	sadd.s32 s4, s21;
	[dreg:$0xb] =	wrdreg s0;
	s22 =	simm.s32 $0x6000  }
.Ltmp0:
0x10: {  	s23 =	sadd.s32 $0x400, s2;
	[dreg:$0x4] =	wrdreg s2;
	(pc) =	sbr.rel .LBB2_1-.Ltmp0, $4  }
0x11: {  	s24 =	simm.s32 $0x1;
	s25 =	sadd.s32 $0x800, s2;
	[dreg:$0x6] =	wrdreg s23  }
0x12: {  	s26 =	simm.s32 $0x10000;
	s2 =	sadd.s32 $0xC00, s2;
	[dreg:$0x8] =	wrdreg s25  }
0x13: {  	s0 =	simm.s32 $0x7;
	s21 =	simm.s32 $0xA;
	[dreg:$0xa] =	wrdreg s2  }
0x14: {  	s23 =	simm.s32 $0xE000;
	s25 =	simm.s32 $0x5;
	s2 =	simm.s32 $0x14000  }
.LBB2_12:
0x15: {  	s8 =	simm.s32 $0x9  }
0x16: {  	_ =	swait.ge [sflag:s8], $0x2000  }
0x17: {  	[sflag:s8] =	ssyncset.done $0x0  }
0x18: {  	[sflag:s8] =	ssyncadd.s32 $0xFFFFE000  }
0x19: {  	_ =	swait.ge [sflag:s21], $0x2000  }
0x1a: {  	[sflag:s21] =	ssyncset.done $0x0  }
0x1b: {  	[sflag:s21] =	ssyncadd.s32 $0xFFFFE000  }
0x1c: {  	_ =	swait.ge [sflag:s10], $0x2000  }
0x1d: {  	[sflag:s10] =	ssyncset.done $0x0  }
0x1e: {  	[sflag:s10] =	ssyncadd.s32 $0xFFFFE000  }
0x1f: {  	_ =	swait.ge [sflag:s11], $0x2000  }
0x20: {  	s12 =	sadd.s32 $0x1, s12;
	s20 =	rddreg [dreg:$0xb]  }
0x21: {  	p0 =	sne.s32 s12, s20  }
.Ltmp1:
0x22: {  	_ = 	snop;
	(pc) =	sbr.rel @!p0 .LBB2_13-.Ltmp1, $3  }
0x23: {  	_ =	sdelay $0x1  }
0x24: {  	[sflag:s11] =	ssyncset.done $0x0  }
0x25: {  	[sflag:s11] =	ssyncadd.s32 $0xFFFFE000  }
.LBB2_1:
0x26: {  	s8 =	rddreg [dreg:$0x3]  }
0x27: {  	[tilespmem:s3], [sflag:$0x1] =	stream.linear.gather [hbm4b:s8+s3], $0x2000, $0x38;
	[tilespmem:$0x18000] =	vst v63  }
0x28: {  	s13 =	rddreg [dreg:$0x4];
	s9 =	simm.s32 $0x8000  }
0x29: {  	[tilespmem:s9], [sflag:$0x5] =	stream.linear.gather [hbm4b:s13+s3], $0x2000, $0x38;
	[tilespmem:$0x18000] =	vst v63  }
0x2a: {  	s14 =	rddreg [dreg:$0x5];
	s15 =	simm.s32 $0x2000  }
0x2b: {  	[tilespmem:s15], [sflag:$0x2] =	stream.linear.gather [hbm4b:s14+s3], $0x2000, $0x38;
	[tilespmem:$0x18000] =	vst v63  }
0x2c: {  	s16 =	rddreg [dreg:$0x6];
	s20 =	simm.s32 $0xA000  }
0x2d: {  	[tilespmem:s20], [sflag:$0x6] =	stream.linear.gather [hbm4b:s16+s3], $0x2000, $0x38;
	[tilespmem:$0x18000] =	vst v63  }
0x2e: {  	s9 =	rddreg [dreg:$0x7];
	s13 =	simm.s32 $0x4000  }
0x2f: {  	[tilespmem:s13], [sflag:$0x3] =	stream.linear.gather [hbm4b:s9+s3], $0x2000, $0x38;
	[tilespmem:$0x18000] =	vst v63  }
0x30: {  	s14 =	rddreg [dreg:$0x8];
	s15 =	simm.s32 $0xC000  }
0x31: {  	[tilespmem:s15], [sflag:$0x7] =	stream.linear.gather [hbm4b:s14+s3], $0x2000, $0x38;
	[tilespmem:$0x18000] =	vst v63  }
0x32: {  	s16 =	rddreg [dreg:$0x9]  }
0x33: {  	[tilespmem:s22], [sflag:$0x4] =	stream.linear.gather [hbm4b:s16+s3], $0x2000, $0x38;
	[tilespmem:$0x18000] =	vst v63  }
0x34: {  	s20 =	rddreg [dreg:$0xa];
	s13 =	simm.s32 $0x0  }
0x35: {  	[tilespmem:s23], [sflag:$0x8] =	stream.linear.gather [hbm4b:s20+s3], $0x2000, $0x38;
	[tilespmem:$0x18000] =	vst v63  }
.LBB2_2:
0x36: {  	_ =	swait.ge [sflag:s24], $0x2000  }
0x37: {  	[sflag:s24] =	ssyncset.done $0x0  }
0x38: {  	[sflag:s24] =	ssyncadd.s32 $0xFFFFE000  }
0x39: {  	_ =	swait.ge [sflag:s25], $0x2000  }
0x3a: {  	p0 =	seq.s32 s13, $0x0;
	[sflag:s25] =	ssyncset.done $0x0  }
0x3b: {  	s8 =	simm.s32 @!p0 $0x9;
	[sflag:s25] =	ssyncadd.s32 $0xFFFFE000  }
0x3c: {  	_ =	swait.ge @!p0 [sflag:s8], $0x2000  }
0x3d: {  	[sflag:s8] =	ssyncset.done @!p0 $0x0  }
0x3e: {  	s20 =	simm.s32 $0x40;
	[sflag:s8] =	ssyncadd.s32 @!p0 $0xFFFFE000  }
0x3f: {  	s15 =	simm.s32 $0x8040;
	v1 =	vld [tilespmem:s20+$0x30]  }
0x40: {  	v2 =	vld [tilespmem:s15+$0x30]  }
0x41: {  	v0 =	vld [tilespmem:s15+$0xFFFFFFC0]  }
0x42: {  	v3 =	vld [tilespmem:s20+$0xFFFFFFD0]  }
0x43: {  	v4 =	vld [tilespmem:s15+$0xFFFFFFD0]  }
0x44: {  	v5 =	vld [tilespmem:s20+$0xFFFFFFE0]  }
0x45: {  	v6 =	vld [tilespmem:s15+$0xFFFFFFE0]  }
0x46: {  	v7 =	vld [tilespmem:s20+$0xFFFFFFF0]  }
0x47: {  	v8 =	vld [tilespmem:s15+$0xFFFFFFF0]  }
0x48: {  	v9 =	vld [tilespmem:s20+$0x0]  }
0x49: {  	v10 =	vld [tilespmem:s15+$0x0];
	v2 =	vadd.f32 v2, v1  }
0x4a: {  	s16 =	simm.s32 $0x10040;
	v4 =	vadd.f32 v4, v3;
	v1 =	vld [tilespmem:s20+$0x10]  }
0x4b: {  	v5 =	vadd.f32 v6, v5;
	v3 =	vld [tilespmem:s15+$0x10];
	[tilespmem:s16+$0x30] =	vst v2  }
0x4c: {  	v6 =	vadd.f32 v8, v7;
	[tilespmem:s16+$0xFFFFFFD0] =	vst v4;
	v2 =	vld [tilespmem:s20+$0x20]  }
0x4d: {  	s14 =	sshll.u32 s13, $0xF;
	[tilespmem:s16+$0xFFFFFFE0] =	vst v5;
	v4 =	vld [tilespmem:s15+$0x20]  }
0x4e: {  	s9 =	simm.s32 $0x0;
	s8 =	sor.u32 s6, s14;
	v5 =	vld [tilespmem:s20+$0xFFFFFFC0];
	[tilespmem:s16+$0xFFFFFFF0] =	vst v6;
	v6 =	vadd.f32 v10, v9;
	s20 =	simm.s32 $0xC0  }
.LBB2_3:
0x4f: {  	v7 =	vld [tilespmem:s20+$0x30];
	s15 =	sadd.s32 $0x80, s15  }
0x50: {  	s9 =	sadd.s32 $0x8, s9;
	v8 =	vld [tilespmem:s15+$0x30];
	[tilespmem:s16+$0x0] =	vst v6;
	v1 =	vadd.f32 v3, v1  }
0x51: {  	p1 =	slt.u32 s9, $0x1F8;
	v3 =	vld [tilespmem:s15+$0xFFFFFFC0]  }
0x52: {  	v6 =	vld [tilespmem:s20+$0xFFFFFFD0];
	[tilespmem:s16+$0x10] =	vst v1;
	v1 =	vadd.f32 v4, v2  }
0x53: {  	v2 =	vld [tilespmem:s15+$0xFFFFFFD0];
	v9 =	vadd.f32 v0, v5  }
0x54: {  	v4 =	vld [tilespmem:s20+$0xFFFFFFE0];
	[tilespmem:s16+$0x20] =	vst v1  }
0x55: {  	v1 =	vld [tilespmem:s15+$0xFFFFFFE0];
	v5 =	vadd.f32 v8, v7;
	[tilespmem:s16+$0xFFFFFFC0] =	vst v9  }
0x56: {  	s16 =	sadd.s32 $0x80, s16;
	v7 =	vld [tilespmem:s20+$0xFFFFFFF0];
	v0 =	vmov v3  }
0x57: {  	v8 =	vld [tilespmem:s15+$0xFFFFFFF0];
	[tilespmem:s16+$0x30] =	vst v5  }
0x58: {  	v2 =	vadd.f32 v2, v6;
	v6 =	vld [tilespmem:s20+$0x0]  }
0x59: {  	v9 =	vld [tilespmem:s15+$0x0]  }
.Ltmp2:
0x5a: {  	[tilespmem:s16+$0xFFFFFFD0] =	vst v2;
	v2 =	vadd.f32 v1, v4;
	v1 =	vld [tilespmem:s20+$0x10];
	(pc) =	sbr.rel @p1 .LBB2_3-.Ltmp2, $4  }
0x5b: {  	v3 =	vld [tilespmem:s15+$0x10]  }
0x5c: {  	[tilespmem:s16+$0xFFFFFFE0] =	vst v2;
	v7 =	vadd.f32 v8, v7;
	v2 =	vld [tilespmem:s20+$0x20]  }
0x5d: {  	v4 =	vld [tilespmem:s15+$0x20]  }
0x5e: {  	v5 =	vld [tilespmem:s20+$0xFFFFFFC0];
	[tilespmem:s16+$0xFFFFFFF0] =	vst v7;
	v6 =	vadd.f32 v9, v6;
	s20 =	sadd.s32 $0x80, s20  }
0x5f: {  	_ =	sdelay $0x1  }
0x60: {  	v1 =	vadd.f32 v3, v1  }
0x61: {  	[tilespmem:s16+$0x0] =	vst v6;
	v2 =	vadd.f32 v4, v2  }
0x62: {  	[tilespmem:s16+$0x10] =	vst v1;
	v0 =	vadd.f32 v0, v5  }
0x63: {  	s15 =	sshrl.u32 s8, $0x3;
	[tilespmem:s16+$0x20] =	vst v2  }
0x64: {  	p1 =	seq.s32 s13, $0x1F;
	s8 =	sadd.s32 s5, s15;
	[tilespmem:s16+$0xFFFFFFC0] =	vst v0  }
0x65: {  	[hbm4b:s8+s3] =	stream.linear.scatter [tilespmem:s26], [sflag:$0x9], $0x2000, $0x38;
	[tilespmem:$0x18000] =	vst v63  }
0x66: {  	s8 =	sadd.s32 @!p1 $0x8000, s14  }
0x67: {  	s9 =	sadd.s32 @!p1 s6, s8  }
0x68: {  	s8 =	sadd.s32 @!p1 s7, s8;
	s9 =	sshrl.u32 @!p1 s9, $0x3  }
0x69: {  	s16 =	simm.s32 @!p1 $0x0;
	s8 =	sshrl.u32 @!p1 s8, $0x3;
	s9 =	sadd.s32 @!p1 s1, s9  }
0x6a: {  	[tilespmem:s16], [sflag:$0x1] =	stream.linear.gather @!p1 [hbm4b:s9+s16], $0x2000, $0x38;
	[tilespmem:$0x18000] =	vst v63  }
0x6b: {  	s8 =	sadd.s32 @!p1 s4, s8;
	s9 =	simm.s32 @!p1 $0x8000  }
0x6c: {  	[tilespmem:s9], [sflag:$0x5] =	stream.linear.gather @!p1 [hbm4b:s8+s16], $0x2000, $0x38;
	[tilespmem:$0x18000] =	vst v63  }
0x6d: {  	_ =	swait.ge [sflag:s28], $0x2000  }
0x6e: {  	[sflag:s28] =	ssyncset.done $0x0  }
0x6f: {  	[sflag:s28] =	ssyncadd.s32 $0xFFFFE000  }
0x70: {  	_ =	swait.ge [sflag:s29], $0x2000  }
0x71: {  	[sflag:s29] =	ssyncset.done $0x0  }
0x72: {  	s8 =	simm.s32 @!p0 $0xA;
	[sflag:s29] =	ssyncadd.s32 $0xFFFFE000  }
0x73: {  	_ =	swait.ge @!p0 [sflag:s8], $0x2000  }
0x74: {  	[sflag:s8] =	ssyncset.done @!p0 $0x0  }
0x75: {  	s20 =	simm.s32 $0x2040;
	[sflag:s8] =	ssyncadd.s32 @!p0 $0xFFFFE000  }
0x76: {  	s16 =	simm.s32 $0xA040;
	v1 =	vld [tilespmem:s20+$0x30]  }
0x77: {  	v2 =	vld [tilespmem:s16+$0x30]  }
0x78: {  	v0 =	vld [tilespmem:s16+$0xFFFFFFC0]  }
0x79: {  	v3 =	vld [tilespmem:s20+$0xFFFFFFD0]  }
0x7a: {  	v4 =	vld [tilespmem:s16+$0xFFFFFFD0]  }
0x7b: {  	v5 =	vld [tilespmem:s20+$0xFFFFFFE0]  }
0x7c: {  	v6 =	vld [tilespmem:s16+$0xFFFFFFE0]  }
0x7d: {  	v7 =	vld [tilespmem:s20+$0xFFFFFFF0]  }
0x7e: {  	v8 =	vld [tilespmem:s16+$0xFFFFFFF0]  }
0x7f: {  	v9 =	vld [tilespmem:s20+$0x0]  }
0x80: {  	v10 =	vld [tilespmem:s16+$0x0];
	v2 =	vadd.f32 v2, v1  }
0x81: {  	s8 =	simm.s32 $0x12040;
	v4 =	vadd.f32 v4, v3;
	v1 =	vld [tilespmem:s20+$0x10]  }
0x82: {  	v5 =	vadd.f32 v6, v5;
	v3 =	vld [tilespmem:s16+$0x10];
	[tilespmem:s8+$0x30] =	vst v2  }
0x83: {  	v6 =	vadd.f32 v8, v7;
	[tilespmem:s8+$0xFFFFFFD0] =	vst v4;
	v2 =	vld [tilespmem:s20+$0x20]  }
0x84: {  	[tilespmem:s8+$0xFFFFFFE0] =	vst v5;
	v5 =	vld [tilespmem:s16+$0x20]  }
0x85: {  	s9 =	simm.s32 $0x0;
	v4 =	vld [tilespmem:s20+$0xFFFFFFC0];
	[tilespmem:s8+$0xFFFFFFF0] =	vst v6;
	v6 =	vadd.f32 v10, v9;
	s20 =	simm.s32 $0x20C0  }
.LBB2_5:
0x86: {  	v7 =	vld [tilespmem:s20+$0x30];
	s16 =	sadd.s32 $0x80, s16  }
0x87: {  	s9 =	sadd.s32 $0x8, s9;
	v8 =	vld [tilespmem:s16+$0x30];
	[tilespmem:s8+$0x0] =	vst v6;
	v1 =	vadd.f32 v3, v1  }
0x88: {  	p2 =	slt.u32 s9, $0x1F8;
	v3 =	vld [tilespmem:s16+$0xFFFFFFC0]  }
0x89: {  	v6 =	vld [tilespmem:s20+$0xFFFFFFD0];
	[tilespmem:s8+$0x10] =	vst v1;
	v1 =	vadd.f32 v5, v2  }
0x8a: {  	v2 =	vld [tilespmem:s16+$0xFFFFFFD0];
	v9 =	vadd.f32 v0, v4  }
0x8b: {  	v4 =	vld [tilespmem:s20+$0xFFFFFFE0];
	[tilespmem:s8+$0x20] =	vst v1  }
0x8c: {  	v1 =	vld [tilespmem:s16+$0xFFFFFFE0];
	v5 =	vadd.f32 v8, v7;
	[tilespmem:s8+$0xFFFFFFC0] =	vst v9  }
0x8d: {  	s8 =	sadd.s32 $0x80, s8;
	v7 =	vld [tilespmem:s20+$0xFFFFFFF0];
	v0 =	vmov v3  }
0x8e: {  	v8 =	vld [tilespmem:s16+$0xFFFFFFF0];
	[tilespmem:s8+$0x30] =	vst v5  }
0x8f: {  	v2 =	vadd.f32 v2, v6;
	v6 =	vld [tilespmem:s20+$0x0]  }
0x90: {  	v9 =	vld [tilespmem:s16+$0x0]  }
.Ltmp3:
0x91: {  	[tilespmem:s8+$0xFFFFFFD0] =	vst v2;
	v2 =	vadd.f32 v1, v4;
	v1 =	vld [tilespmem:s20+$0x10];
	(pc) =	sbr.rel @p2 .LBB2_5-.Ltmp3, $4  }
0x92: {  	v3 =	vld [tilespmem:s16+$0x10]  }
0x93: {  	[tilespmem:s8+$0xFFFFFFE0] =	vst v2;
	v7 =	vadd.f32 v8, v7;
	v2 =	vld [tilespmem:s20+$0x20]  }
0x94: {  	v5 =	vld [tilespmem:s16+$0x20]  }
0x95: {  	v4 =	vld [tilespmem:s20+$0xFFFFFFC0];
	[tilespmem:s8+$0xFFFFFFF0] =	vst v7;
	v6 =	vadd.f32 v9, v6;
	s20 =	sadd.s32 $0x80, s20  }
0x96: {  	_ =	sdelay $0x1  }
0x97: {  	v1 =	vadd.f32 v3, v1  }
0x98: {  	[tilespmem:s8+$0x0] =	vst v6;
	v2 =	vadd.f32 v5, v2  }
0x99: {  	[tilespmem:s8+$0x10] =	vst v1;
	v0 =	vadd.f32 v0, v4  }
0x9a: {  	s15 =	sadd.s32 s15, s5;
	[tilespmem:s8+$0x20] =	vst v2  }
0x9b: {  	s20 =	sadd.s32 $0x400, s15;
	[tilespmem:s8+$0xFFFFFFC0] =	vst v0;
	s8 =	sadd.s32 @!p1 $0xA000, s14  }
0x9c: {  	[hbm4b:s20+s3] =	stream.linear.scatter [tilespmem:s30], [sflag:$0xA], $0x2000, $0x38;
	[tilespmem:$0x18000] =	vst v63  }
0x9d: {  	s9 =	sadd.s32 @!p1 s6, s8  }
0x9e: {  	s16 =	simm.s32 @!p1 $0x0;
	s8 =	sadd.s32 @!p1 s7, s8;
	s9 =	sshrl.u32 @!p1 s9, $0x3  }
0x9f: {  	s20 =	simm.s32 @!p1 $0x2000;
	s8 =	sshrl.u32 @!p1 s8, $0x3;
	s9 =	sadd.s32 @!p1 s1, s9  }
0xa0: {  	[tilespmem:s20], [sflag:$0x2] =	stream.linear.gather @!p1 [hbm4b:s9+s16], $0x2000, $0x38;
	[tilespmem:$0x18000] =	vst v63  }
0xa1: {  	s8 =	sadd.s32 @!p1 s4, s8;
	s9 =	simm.s32 @!p1 $0xA000  }
0xa2: {  	[tilespmem:s9], [sflag:$0x6] =	stream.linear.gather @!p1 [hbm4b:s8+s16], $0x2000, $0x38;
	[tilespmem:$0x18000] =	vst v63  }
0xa3: {  	_ =	swait.ge [sflag:s31], $0x2000  }
0xa4: {  	[sflag:s31] =	ssyncset.done $0x0  }
0xa5: {  	[sflag:s31] =	ssyncadd.s32 $0xFFFFE000  }
0xa6: {  	_ =	swait.ge [sflag:s0], $0x2000  }
0xa7: {  	[sflag:s0] =	ssyncset.done $0x0  }
0xa8: {  	s8 =	simm.s32 @!p0 $0xB;
	[sflag:s0] =	ssyncadd.s32 $0xFFFFE000  }
0xa9: {  	_ =	swait.ge @!p0 [sflag:s8], $0x2000  }
0xaa: {  	[sflag:s8] =	ssyncset.done @!p0 $0x0  }
0xab: {  	s20 =	simm.s32 $0x4040;
	[sflag:s8] =	ssyncadd.s32 @!p0 $0xFFFFE000  }
0xac: {  	s16 =	simm.s32 $0xC040;
	v1 =	vld [tilespmem:s20+$0x30]  }
0xad: {  	v2 =	vld [tilespmem:s16+$0x30]  }
0xae: {  	v0 =	vld [tilespmem:s16+$0xFFFFFFC0]  }
0xaf: {  	v3 =	vld [tilespmem:s20+$0xFFFFFFD0]  }
0xb0: {  	v4 =	vld [tilespmem:s16+$0xFFFFFFD0]  }
0xb1: {  	v5 =	vld [tilespmem:s20+$0xFFFFFFE0]  }
0xb2: {  	v6 =	vld [tilespmem:s16+$0xFFFFFFE0]  }
0xb3: {  	v7 =	vld [tilespmem:s20+$0xFFFFFFF0]  }
0xb4: {  	v8 =	vld [tilespmem:s16+$0xFFFFFFF0]  }
0xb5: {  	v9 =	vld [tilespmem:s20+$0x0]  }
0xb6: {  	v10 =	vld [tilespmem:s16+$0x0];
	v2 =	vadd.f32 v2, v1  }
0xb7: {  	s8 =	simm.s32 $0x14040;
	v4 =	vadd.f32 v4, v3;
	v1 =	vld [tilespmem:s20+$0x10]  }
0xb8: {  	v5 =	vadd.f32 v6, v5;
	v3 =	vld [tilespmem:s16+$0x10];
	[tilespmem:s8+$0x30] =	vst v2  }
0xb9: {  	v6 =	vadd.f32 v8, v7;
	[tilespmem:s8+$0xFFFFFFD0] =	vst v4;
	v2 =	vld [tilespmem:s20+$0x20]  }
0xba: {  	[tilespmem:s8+$0xFFFFFFE0] =	vst v5;
	v5 =	vld [tilespmem:s16+$0x20]  }
0xbb: {  	s9 =	simm.s32 $0x0;
	v4 =	vld [tilespmem:s20+$0xFFFFFFC0];
	[tilespmem:s8+$0xFFFFFFF0] =	vst v6;
	v6 =	vadd.f32 v10, v9;
	s20 =	simm.s32 $0x40C0  }
.LBB2_7:
0xbc: {  	v7 =	vld [tilespmem:s20+$0x30];
	s16 =	sadd.s32 $0x80, s16  }
0xbd: {  	s9 =	sadd.s32 $0x8, s9;
	v8 =	vld [tilespmem:s16+$0x30];
	[tilespmem:s8+$0x0] =	vst v6;
	v1 =	vadd.f32 v3, v1  }
0xbe: {  	p2 =	slt.u32 s9, $0x1F8;
	v3 =	vld [tilespmem:s16+$0xFFFFFFC0]  }
0xbf: {  	v6 =	vld [tilespmem:s20+$0xFFFFFFD0];
	[tilespmem:s8+$0x10] =	vst v1;
	v1 =	vadd.f32 v5, v2  }
0xc0: {  	v2 =	vld [tilespmem:s16+$0xFFFFFFD0];
	v9 =	vadd.f32 v0, v4  }
0xc1: {  	v4 =	vld [tilespmem:s20+$0xFFFFFFE0];
	[tilespmem:s8+$0x20] =	vst v1  }
0xc2: {  	v1 =	vld [tilespmem:s16+$0xFFFFFFE0];
	v5 =	vadd.f32 v8, v7;
	[tilespmem:s8+$0xFFFFFFC0] =	vst v9  }
0xc3: {  	s8 =	sadd.s32 $0x80, s8;
	v7 =	vld [tilespmem:s20+$0xFFFFFFF0];
	v0 =	vmov v3  }
0xc4: {  	v8 =	vld [tilespmem:s16+$0xFFFFFFF0];
	[tilespmem:s8+$0x30] =	vst v5  }
0xc5: {  	v2 =	vadd.f32 v2, v6;
	v6 =	vld [tilespmem:s20+$0x0]  }
0xc6: {  	v9 =	vld [tilespmem:s16+$0x0]  }
.Ltmp4:
0xc7: {  	[tilespmem:s8+$0xFFFFFFD0] =	vst v2;
	v2 =	vadd.f32 v1, v4;
	v1 =	vld [tilespmem:s20+$0x10];
	(pc) =	sbr.rel @p2 .LBB2_7-.Ltmp4, $4  }
0xc8: {  	v3 =	vld [tilespmem:s16+$0x10]  }
0xc9: {  	[tilespmem:s8+$0xFFFFFFE0] =	vst v2;
	v7 =	vadd.f32 v8, v7;
	v2 =	vld [tilespmem:s20+$0x20]  }
0xca: {  	v5 =	vld [tilespmem:s16+$0x20]  }
0xcb: {  	v4 =	vld [tilespmem:s20+$0xFFFFFFC0];
	[tilespmem:s8+$0xFFFFFFF0] =	vst v7;
	v6 =	vadd.f32 v9, v6;
	s20 =	sadd.s32 $0x80, s20  }
0xcc: {  	_ =	sdelay $0x1  }
0xcd: {  	v1 =	vadd.f32 v3, v1  }
0xce: {  	[tilespmem:s8+$0x0] =	vst v6;
	v2 =	vadd.f32 v5, v2  }
0xcf: {  	[tilespmem:s8+$0x10] =	vst v1;
	v0 =	vadd.f32 v0, v4  }
0xd0: {  	[tilespmem:s8+$0x20] =	vst v2  }
0xd1: {  	s20 =	sadd.s32 $0x800, s15;
	[tilespmem:s8+$0xFFFFFFC0] =	vst v0;
	s8 =	sadd.s32 @!p1 $0xC000, s14  }
0xd2: {  	[hbm4b:s20+s3] =	stream.linear.scatter [tilespmem:s2], [sflag:$0xB], $0x2000, $0x38;
	[tilespmem:$0x18000] =	vst v63  }
0xd3: {  	s9 =	sadd.s32 @!p1 s6, s8  }
0xd4: {  	s16 =	simm.s32 @!p1 $0x0;
	s8 =	sadd.s32 @!p1 s7, s8;
	s9 =	sshrl.u32 @!p1 s9, $0x3  }
0xd5: {  	s20 =	simm.s32 @!p1 $0x4000;
	s8 =	sshrl.u32 @!p1 s8, $0x3;
	s9 =	sadd.s32 @!p1 s1, s9  }
0xd6: {  	[tilespmem:s20], [sflag:$0x3] =	stream.linear.gather @!p1 [hbm4b:s9+s16], $0x2000, $0x38;
	[tilespmem:$0x18000] =	vst v63  }
0xd7: {  	s8 =	sadd.s32 @!p1 s4, s8;
	s9 =	simm.s32 @!p1 $0xC000  }
0xd8: {  	[tilespmem:s9], [sflag:$0x7] =	stream.linear.gather @!p1 [hbm4b:s8+s16], $0x2000, $0x38;
	[tilespmem:$0x18000] =	vst v63  }
0xd9: {  	_ =	swait.ge [sflag:s17], $0x2000  }
0xda: {  	[sflag:s17] =	ssyncset.done $0x0  }
0xdb: {  	[sflag:s17] =	ssyncadd.s32 $0xFFFFE000  }
0xdc: {  	_ =	swait.ge [sflag:s18], $0x2000  }
0xdd: {  	[sflag:s18] =	ssyncset.done $0x0  }
0xde: {  	s8 =	simm.s32 @!p0 $0xC;
	[sflag:s18] =	ssyncadd.s32 $0xFFFFE000  }
0xdf: {  	_ =	swait.ge @!p0 [sflag:s8], $0x2000  }
0xe0: {  	[sflag:s8] =	ssyncset.done @!p0 $0x0  }
0xe1: {  	s20 =	simm.s32 $0x6040;
	[sflag:s8] =	ssyncadd.s32 @!p0 $0xFFFFE000  }
0xe2: {  	s16 =	simm.s32 $0xE040;
	v1 =	vld [tilespmem:s20+$0x30]  }
0xe3: {  	v2 =	vld [tilespmem:s16+$0x30]  }
0xe4: {  	v0 =	vld [tilespmem:s16+$0xFFFFFFC0]  }
0xe5: {  	v3 =	vld [tilespmem:s20+$0xFFFFFFD0]  }
0xe6: {  	v4 =	vld [tilespmem:s16+$0xFFFFFFD0]  }
0xe7: {  	v5 =	vld [tilespmem:s20+$0xFFFFFFE0]  }
0xe8: {  	v6 =	vld [tilespmem:s16+$0xFFFFFFE0]  }
0xe9: {  	v7 =	vld [tilespmem:s20+$0xFFFFFFF0]  }
0xea: {  	v8 =	vld [tilespmem:s16+$0xFFFFFFF0]  }
0xeb: {  	v9 =	vld [tilespmem:s20+$0x0]  }
0xec: {  	v10 =	vld [tilespmem:s16+$0x0];
	v2 =	vadd.f32 v2, v1  }
0xed: {  	s8 =	simm.s32 $0x16040;
	v4 =	vadd.f32 v4, v3;
	v1 =	vld [tilespmem:s20+$0x10]  }
0xee: {  	v5 =	vadd.f32 v6, v5;
	v3 =	vld [tilespmem:s16+$0x10];
	[tilespmem:s8+$0x30] =	vst v2  }
0xef: {  	v6 =	vadd.f32 v8, v7;
	[tilespmem:s8+$0xFFFFFFD0] =	vst v4;
	v2 =	vld [tilespmem:s20+$0x20]  }
0xf0: {  	[tilespmem:s8+$0xFFFFFFE0] =	vst v5;
	v5 =	vld [tilespmem:s16+$0x20]  }
0xf1: {  	s9 =	simm.s32 $0x0;
	v4 =	vld [tilespmem:s20+$0xFFFFFFC0];
	[tilespmem:s8+$0xFFFFFFF0] =	vst v6;
	v6 =	vadd.f32 v10, v9;
	s20 =	simm.s32 $0x60C0  }
.LBB2_9:
0xf2: {  	v7 =	vld [tilespmem:s20+$0x30];
	s16 =	sadd.s32 $0x80, s16  }
0xf3: {  	s9 =	sadd.s32 $0x8, s9;
	v8 =	vld [tilespmem:s16+$0x30];
	[tilespmem:s8+$0x0] =	vst v6;
	v1 =	vadd.f32 v3, v1  }
0xf4: {  	p0 =	slt.u32 s9, $0x1F8;
	v3 =	vld [tilespmem:s16+$0xFFFFFFC0]  }
0xf5: {  	v6 =	vld [tilespmem:s20+$0xFFFFFFD0];
	[tilespmem:s8+$0x10] =	vst v1;
	v1 =	vadd.f32 v5, v2  }
0xf6: {  	v2 =	vld [tilespmem:s16+$0xFFFFFFD0];
	v9 =	vadd.f32 v0, v4  }
0xf7: {  	v4 =	vld [tilespmem:s20+$0xFFFFFFE0];
	[tilespmem:s8+$0x20] =	vst v1  }
0xf8: {  	v1 =	vld [tilespmem:s16+$0xFFFFFFE0];
	v5 =	vadd.f32 v8, v7;
	[tilespmem:s8+$0xFFFFFFC0] =	vst v9  }
0xf9: {  	s8 =	sadd.s32 $0x80, s8;
	v7 =	vld [tilespmem:s20+$0xFFFFFFF0];
	v0 =	vmov v3  }
0xfa: {  	v8 =	vld [tilespmem:s16+$0xFFFFFFF0];
	[tilespmem:s8+$0x30] =	vst v5  }
0xfb: {  	v2 =	vadd.f32 v2, v6;
	v6 =	vld [tilespmem:s20+$0x0]  }
0xfc: {  	v9 =	vld [tilespmem:s16+$0x0]  }
.Ltmp5:
0xfd: {  	[tilespmem:s8+$0xFFFFFFD0] =	vst v2;
	v2 =	vadd.f32 v1, v4;
	v1 =	vld [tilespmem:s20+$0x10];
	(pc) =	sbr.rel @p0 .LBB2_9-.Ltmp5, $4  }
0xfe: {  	v3 =	vld [tilespmem:s16+$0x10]  }
0xff: {  	[tilespmem:s8+$0xFFFFFFE0] =	vst v2;
	v7 =	vadd.f32 v8, v7;
	v2 =	vld [tilespmem:s20+$0x20]  }
0x100: {  	v5 =	vld [tilespmem:s16+$0x20]  }
0x101: {  	v4 =	vld [tilespmem:s20+$0xFFFFFFC0];
	[tilespmem:s8+$0xFFFFFFF0] =	vst v7;
	v6 =	vadd.f32 v9, v6;
	s20 =	sadd.s32 $0x80, s20  }
0x102: {  	_ =	sdelay $0x1  }
0x103: {  	v1 =	vadd.f32 v3, v1  }
.Ltmp6:
0x104: {  	[tilespmem:s8+$0x0] =	vst v6;
	v2 =	vadd.f32 v5, v2;
	(pc) =	sbr.rel @p1 .LBB2_12-.Ltmp6, $4  }
0x105: {  	[tilespmem:s8+$0x10] =	vst v1;
	v0 =	vadd.f32 v0, v4  }
0x106: {  	[tilespmem:s8+$0x20] =	vst v2  }
0x107: {  	s20 =	sadd.s32 $0xC00, s15;
	[tilespmem:s8+$0xFFFFFFC0] =	vst v0  }
0x108: {  	[hbm4b:s20+s3] =	stream.linear.scatter [tilespmem:s19], [sflag:$0xC], $0x2000, $0x38;
	[tilespmem:$0x18000] =	vst v63  }
0x109: {  	s8 =	sadd.s32 $0xE000, s14  }
0x10a: {  	s9 =	sadd.s32 s6, s8  }
.Ltmp7:
0x10b: {  	s8 =	sadd.s32 s7, s8;
	s9 =	sshrl.u32 s9, $0x3;
	(pc) =	sbr.rel .LBB2_2-.Ltmp7, $4  }
0x10c: {  	s8 =	sshrl.u32 s8, $0x3;
	s9 =	sadd.s32 s1, s9  }
0x10d: {  	[tilespmem:s22], [sflag:$0x4] =	stream.linear.gather [hbm4b:s9+s3], $0x2000, $0x38;
	[tilespmem:$0x18000] =	vst v63  }
0x10e: {  	s13 =	sadd.s32 $0x1, s13;
	s8 =	sadd.s32 s4, s8  }
0x10f: {  	[tilespmem:s23], [sflag:$0x8] =	stream.linear.gather [hbm4b:s8+s3], $0x2000, $0x38;
	[tilespmem:$0x18000] =	vst v63  }
.LBB2_13:
0x110: {  	_ =	sfence.sel $0x180000  }
0x111: {  	[bflag:$0x0] =	sbarrier.arrive $0xFFFF  }
0x112: {  	_ =	strace $0x9000004D  }
0x113: {  	s0 =	stileid.u32;
	[bflag:$0x2] =	sbarrier.arrive $0xFFFF  }
0x114: {  	p0 =	sne.s32 s0, $0x0;
	s0 =	rddreg [dreg:$0x2]  }
0x115: {  	s0 =	sadd.s32 @!p0 $0x100000, s0  }
0x116: {  	[sflag:s0] =	ssyncadd.tile.s32 @!p0 $0x1;
	_ =	shalt  }
.Lfunc_end2:
_tile_overlayer_lowered:
.L_overlay_start_2:
0x117: {  	(tag) =	ssettag $0x2  }
0x118: {  	s0 =	rddreg [dreg:$0x0];
	s2 =	stileid.u32  }
0x119: {  	s1 =	rddreg [dreg:$0x1];
	p0 =	sne.s32 s2, $0x0  }
0x11a: {  	s3 =	rddreg [dreg:$0x2];
	[bflag:$0x3] =	sbarrier.arrive $0xFFFF;
	s2 =	simm.s32 @!p0 $0x1C0D  }
0x11b: {  	[timem:s3], [sflag:s2] =	dma.local @!p0 [hbm:s0], s1  }
0x11c: {  	s0 =	simm.s32 @!p0 $0xD  }
0x11d: {  	_ =	swait.ge @!p0 [sflag:s0], s1  }
0x11e: {  	s1 =	ssub.s32 @!p0 $0x0, s1;
	[sflag:s0] =	ssyncset.done @!p0 $0x0  }
0x11f: {  	[sflag:s0] =	ssyncadd.s32 @!p0 s1  }
0x120: {  	[bflag:$0x3] =	sbarrier.arrive $0xFFFF  }
0x121: {  	_ =	shalt  }

// kernel: sparse-core-data-format-call.1.cloned.1.call-start
scs
called_computation.1_lowered:
.L_overlay_start_0:
0x0: {  	s2 =	sld [smem:$0x3FD9]  }
0x1: {  	s3 =	sld [smem:$0x3FFE];
	_ =	sdelay $0x1  }
0x2: {  	s1 =	srdreg.scid  }
0x3: {  	s0 =	sand.u32 $0x1, s1  }
0x4: {  	s19 =	sshll.u32 s0, $0xA;
	s2 =	sadd.s32 s3, s2  }
0x5: {  	s2 =	sadd.s32 s2, s19  }
0x6: {  	[smem:$0x3FC6] =	sst s2  }
0x7: {  	_ = 	snop  }
0x8: {  	s20 =	sld [smem:$0x3FC9]  }
0x9: {  	s4 =	sld [smem:$0x3FD0];
	(tm) =	ssettm $0x1  }
0xa: {  	s21 =	sld [smem:$0x3FFB];
	_ =	sdelay $0x3  }
0xb: {  	_ =	strace s21  }
0xc: {  	s2 =	sld [smem:$0x3FFC];
	_ =	sdelay $0x3  }
0xd: {  	_ =	strace s2  }
0xe: {  	s2 =	sld [smem:$0x3FFD];
	_ =	sdelay $0x3  }
0xf: {  	_ =	strace s2  }
0x10: {  	_ =	strace $0x8FFFFFFF  }
0x11: {  	s22 =	sld [smem:$0x3FDB];
	_ =	sdelay $0x1  }
0x12: {  	s5 =	simm.s32 $_scs_section_size  }
0x13: {  	s6 =	simm.s32 $_size__tile_overlayer_lowered;
	s7 =	simm.s32 $_tile_overlayer_lowered  }
0x14: {  	s8 =	simm.s32 $0x1BFF;
	s23 =	sshll.u32 s7, $0x1;
	s5 =	sadd.s32 s5, s22  }
0x15: {  	s24 =	simm.s32 $0x0;
	s6 =	sshll.u32 s6, $0x1;
	s7 =	sadd.s32 s23, s5  }
0x16: {  	[timem:s24], [sflag:s8] =	dma.local [hbm:s7], s6  }
0x17: {  	_ =	swait.ge [sflag:s8], s6  }
0x18: {  	s6 =	ssub.s32 $0x0, s6;
	[sflag:s8] =	ssyncset.done $0x0  }
0x19: {  	[sflag:s8] =	ssyncadd.s32 s6;
	_ =	sdelay $0x1  }
0x1a: {  	s25 =	simm.s32 $0x1B8B  }
0x1b: {  	_ =	swait.ge [sflag:s25], $0x1  }
0x1c: {  	[sflag:s25] =	ssyncset.done $0x0  }
0x1d: {  	[sflag:s25] =	ssyncadd.s32 $0xFFFFFFFF  }
0x1e: {  	s6 =	sld [smem:$0x0]  }
0x1f: {  	s7 =	sand.u32 $0xFFFFFFFE, s1  }
0x20: {  	p0 =	sne.s32 s1, s7  }
0x21: {  	s7 =	sshll.u32 @p0 s7, $0xE  }
0x22: {  	s7 =	sadd.s32 @p0 $0x11B8D, s7;
	s8 =	sshll.u32 @p0 s6, $0x11  }
0x23: {  	s7 =	sor.u32 @p0 s8, s7  }
0x24: {  	[sflag:s7] =	ssyncadd.remote.s32 @p0 $0x1;
	_ =	sdelay $0x1  }
0x25: {  	s7 =	simm.s32 @p0 $0x1B8D  }
0x26: {  	_ =	swait.eq @p0 [sflag:s7], $0x1  }
0x27: {  	[sflag:s7] =	ssyncadd.s32 @p0 $0xFFFFFFFF  }
0x28: {  	s8 =	sshll.u32 @!p0 s1, $0xE  }
0x29: {  	s8 =	sor.u32 @!p0 $0x4000, s8;
	s7 =	simm.s32 @!p0 $0x1B8D  }
0x2a: {  	s6 =	sshll.u32 @!p0 s6, $0x11;
	s8 =	sadd.s32 @!p0 $0x11B8D, s8;
	_ =	swait.eq @!p0 [sflag:s7], $0x1  }
0x2b: {  	s6 =	sor.u32 @!p0 s6, s8;
	[sflag:s7] =	ssyncadd.s32 @!p0 $0xFFFFFFFF  }
0x2c: {  	s26 =	simm.s32 $0x1B8E;
	[sflag:s6] =	ssyncadd.remote.s32 @!p0 $0x1  }
0x2d: {  	s27 =	simm.s32 $execute0_lowered;
	[smem:$0x3FD2] =	sst s26  }
0x2e: {  	s6 =	sshll.u32 s27, $0x1;
	_ =	strace $0x80000049;
	[dreg:$0x1] =	wrdreg $0xFFFFFFFF  }
0x2f: {  	s28 =	simm.s32 $_size_execute0_lowered;
	s5 =	sadd.s32 s5, s6;
	[dreg:$0x0] =	wrdreg $0x0  }
0x30: {  	s6 =	sshll.u32 s28, $0x1;
	[dreg:$0x2] =	wrdreg s5  }
0x31: {  	[dreg:$0x3] =	wrdreg s6  }
0x32: {  	[dreg:$0x4] =	wrdreg $0xC0  }
0x33: {  	_ =	task [dreg:s24], $0x5FFFF  }
0x34: {  	[dreg:$0x1] =	wrdreg $0xFFFFFFFF  }
0x35: {  	[dreg:$0x0] =	wrdreg $0x60  }
0x36: {  	[dreg:$0x2] =	wrdreg s20  }
0x37: {  	[dreg:$0x3] =	wrdreg s4  }
0x38: {  	[dreg:$0x4] =	wrdreg $0xA  }
0x39: {  	_ =	task.clear_ibuf [dreg:s24], $0x5FFFF;
	_ =	strace $0x90000049  }
0x3a: {  	s29 =	simm.s32 $0xA;
	_ =	strace $0x8000004B  }
0x3b: {  	_ =	swait.ge [sflag:s29], $0x1  }
0x3c: {  	[sflag:s29] =	ssyncadd.s32 $0xFFFFFFFF  }
0x3d: {  	_ =	strace $0x9000004B  }
0x3e: {  	_ =	sfence  }
0x3f: {  	s30 =	sld [smem:$0x0];
	_ =	sdelay $0x2  }
0x40: {  	s31 =	sshll.u32 s1, $0xD;
	s1 =	sshrl.u32 s1, $0x2  }
0x41: {  	s4 =	sand.u32 $0x4000, s31;
	s1 =	sadd.s32 s1, s30  }
0x42: {  	s0 =	sor.u32 s4, s0;
	s1 =	sshll.u32 s1, $0x11  }
0x43: {  	s0 =	sor.u32 s1, s0  }
0x44: {  	s0 =	sadd.s32 $0x8F2B, s0  }
0x45: {  	[sflag:s0] =	ssyncadd.remote.s32 $0x1  }
0x46: {  	_ =	sfence.sel $0xFFFF  }
0x47: {  	[dreg:$0x0] =	wrdreg $0xFFFFFFFF;
	(pc) =	sbr.abs _section_cstart, $3  }
0x48: {  	[dreg:$0x1] =	wrdreg $0xFFFFFFFF  }
0x49: {  	_ =	task.clear_ibuf [dreg:s24], $0x2FFFF;
	_ =	strace $0x9FFFFFFF  }
0x4a: {  	(tm) =	ssettm $0x7FFFFFFF  }
0x4b: {  	_ =	shalt  }
tec
execute0_lowered:
.L_overlay_start_1:
0x0: {  	(tag) =	ssettag $0x1  }
0x1: {  	s0 =	srdreg.scid  }
0x2: {  	s1 =	sshll.u32 s0, $0x4  }
0x3: {  	s2 =	rddreg [dreg:$0x0];
	s0 =	stileid.u32;
	s1 =	sand.u32 $0x10, s1  }
0x4: {  	s4 =	rddreg [dreg:$0x1];
	s1 =	sor.u32 s0, s1  }
0x5: {  	s7 =	simm.s32 $0x1;
	s8 =	simm.s32 $0x2;
	s3 =	sshll.u32 s1, $0x1  }
0x6: {  	s9 =	simm.s32 $0x0;
	s12 =	simm.s32 $0x0;
	s6 =	ssub.s32 $0x1000, s3  }
.Ltmp0:
0x7: {  	s11 =	simm.s32 $0x0;
	s5 =	sand.u32 $0x3E, s6;
	(pc) =	sbr.rel .LBB1_1-.Ltmp0, $4  }
0x8: {  	s1 =	rddreg [dreg:$0x2];
	_ =	strace $0x8000004A;
	p0 =	sne.s32 s5, $0x0  }
0x9: {  	s6 =	sshrl.u32 s6, $0x6;
	s5 =	simm.s32 $0x1;
	s7 =	simm.s32 @!p0 $0x0  }
0xa: {  	s10 =	smov.u32 s3;
	[sflag:s5] =	ssyncpa.u1 $0x0;
	s6 =	sadd.s32 s7, s6  }
0xb: {  	[sflag:s8] =	ssyncpa.u1 $0x0;
	s8 =	simm.s32 $0x0;
	s7 =	sadd.s32 $0x1, s6  }
.LBB1_9:
0xc: {  	s14 =	sadd.s32 $0x40, s10  }
0xd: {  	p1 =	sgt.s32 s14, $0xFFF  }
0xe: {  	s14 =	smov.u32 @p1 s3;
	p1 =	sne.s32 s11, s7  }
.Ltmp1:
0xf: {  	p0 =	slt.u32 s11, $0x2;
	(pc) =	sbr.rel @!p1 .LBB1_10-.Ltmp1, $4  }
0x10: {  	s13 =	simm.s32 @!p0 $0x2  }
0x11: {  	s15 =	sadd.s32 $0x1, s11;
	_ =	swait.ge @!p0 [sflag:s13], $0x4000  }
0x12: {  	s12 =	smov.u32 s10;
	s9 =	sadd.s32 $0x4000, s9;
	[sflag:s13] =	ssyncset.done @!p0 $0x0  }
0x13: {  	s11 =	smov.u32 s15;
	s10 =	smov.u32 s14;
	[sflag:s13] =	ssyncadd.s32 @!p0 $0xFFFFC000  }
.LBB1_1:
0x14: {  	p0 =	sge.u32 s11, s6  }
0x15: {  	s13 =	sxor.u32 @!p0 $0xFFFFFFFF, s11  }
0x16: {  	s31 =	sadd.s32 $0xFFFFFFFF, s11;
	s14 =	sshll.u32 @!p0 s10, $0xA;
	s13 =	sshll.u32 @!p0 s13, $0xE  }
0x17: {  	s15 =	simm.s32 @!p0 $0x0;
	s14 =	sadd.s32 @!p0 s2, s14;
	s13 =	sand.u32 @!p0 $0x4000, s13  }
0x18: {  	[tilespmem:s13], [sflag:$0x1] =	stream.linear.gather @!p0 [hbm4b:s14+s15], $0x4000, $0x38;
	[tilespmem:$0x10000] =	vst v63  }
0x19: {  	p0 =	sge.u32 s31, s6  }
.Ltmp2:
0x1a: {  	_ = 	snop;
	(pc) =	sbr.rel @p0 .LBB1_9-.Ltmp2, $1  }
0x1b: {  	_ =	sdelay $0x3  }
0x1c: {  	s13 =	sshll.u32 s9, $0x2  }
0x1d: {  	_ =	swait.ge [sflag:s5], $0x4000;
	s14 =	sshll.u32 s11, $0xE;
	s16 =	simm.s32 $0x0  }
0x1e: {  	p1 =	por $0x1, $0x1;
	s13 =	sand.u32 $0x10000, s13;
	[sflag:s5] =	ssyncset.done $0x0  }
0x1f: {  	s14 =	sand.u32 $0x4000, s14;
	s15 =	sshrl.u32 s13, $0x2;
	[sflag:s5] =	ssyncadd.s32 $0xFFFFC000  }
0x20: {  	s13 =	sor.u32 $0x8000, s14;
	s14 =	sadd.s32 $0x8040, s15;
	s15 =	sadd.s32 $0x40, s15  }
.LBB1_3:
0x21: {  	s16 =	sshll.u32 s16, $0x2  }
0x22: {  	p0 =	por p1, p1;
	s17 =	sshra.s32 s16, $0x2  }
0x23: {  	s18 =	simm.s32 $0x0;
	s16 =	sadd.s32 s17, s14;
	s17 =	sadd.s32 s17, s15  }
.LBB1_4:
0x24: {  	v0 =	vmov s17;
	_ =	sdelay $0x3  }
0x25: {  	s20 =	simm.s32 $0x0  }
0x26: {  	v6 =	vld.idx.msk [tilespmem:v0+s20+$0x30 ss:$0x1], $0xffff  }
0x27: {  	v7 =	vld.idx.msk [tilespmem:v0+s20+$0xFFFFFFC0 ss:$0x1], $0xffff  }
0x28: {  	v5 =	vld.idx.msk [tilespmem:v0+s20+$0xFFFFFFD0 ss:$0x1], $0xffff  }
0x29: {  	v4 =	vld.idx.msk [tilespmem:v0+s20+$0xFFFFFFE0 ss:$0x1], $0xffff  }
0x2a: {  	v3 =	vld.idx.msk [tilespmem:v0+s20+$0xFFFFFFF0 ss:$0x1], $0xffff  }
0x2b: {  	v1 =	vld.idx.msk [tilespmem:v0+s20+$0x0 ss:$0x1], $0xffff  }
0x2c: {  	v2 =	vld.idx.msk [tilespmem:v0+s20+$0x10 ss:$0x1], $0xffff;
	[tilespmem:s16+$0x30] =	vst v6  }
0x2d: {  	s19 =	simm.s32 $0x80;
	s21 =	simm.s32 $0x400;
	[tilespmem:s16+$0xFFFFFFC0] =	vst v7;
	v6 =	vld.idx.msk [tilespmem:v0+s20+$0x20 ss:$0x1], $0xffff;
	s20 =	smov.u32 s16  }
.LBB1_5:
0x2e: {  	p1 =	sne.s32 s21, $0xE00;
	v7 =	vld.idx.msk [tilespmem:v0+s19+$0x30 ss:$0x1], $0xffff;
	[tilespmem:s20+$0xFFFFFFD0] =	vst v5  }
0x2f: {  	v8 =	vld.idx.msk [tilespmem:v0+s19+$0xFFFFFFC0 ss:$0x1], $0xffff;
	[tilespmem:s20+$0xFFFFFFE0] =	vst v4  }
0x30: {  	v5 =	vld.idx.msk [tilespmem:v0+s19+$0xFFFFFFD0 ss:$0x1], $0xffff;
	[tilespmem:s20+$0xFFFFFFF0] =	vst v3  }
.Ltmp3:
0x31: {  	v4 =	vld.idx.msk [tilespmem:v0+s19+$0xFFFFFFE0 ss:$0x1], $0xffff;
	[tilespmem:s20+$0x0] =	vst v1;
	(pc) =	sbr.rel @p1 .LBB1_5-.Ltmp3, $4  }
0x32: {  	v3 =	vld.idx.msk [tilespmem:v0+s19+$0xFFFFFFF0 ss:$0x1], $0xffff;
	[tilespmem:s20+$0x10] =	vst v2  }
0x33: {  	v1 =	vld.idx.msk [tilespmem:v0+s19+$0x0 ss:$0x1], $0xffff;
	[tilespmem:s20+$0x20] =	vst v6;
	s20 =	sadd.s32 $0x400, s20  }
0x34: {  	v2 =	vld.idx.msk [tilespmem:v0+s19+$0x10 ss:$0x1], $0xffff;
	[tilespmem:s20+$0x30] =	vst v7  }
0x35: {  	[tilespmem:s20+$0xFFFFFFC0] =	vst v8;
	v6 =	vld.idx.msk [tilespmem:v0+s19+$0x20 ss:$0x1], $0xffff;
	s19 =	sshra.s32 s21, $0x2;
	s21 =	sadd.s32 $0x200, s21  }
0x36: {  	_ =	sdelay $0x2  }
0x37: {  	[tilespmem:s20+$0xFFFFFFD0] =	vst v5  }
0x38: {  	v56 =	vld.idx.msk [tilespmem:v0+s19+$0x30 ss:$0x1], $0xffff;
	[tilespmem:s20+$0xFFFFFFE0] =	vst v4  }
0x39: {  	v57 =	vld.idx.msk [tilespmem:v0+s19+$0xFFFFFFC0 ss:$0x1], $0xffff;
	[tilespmem:s20+$0xFFFFFFF0] =	vst v3  }
0x3a: {  	v58 =	vld.idx.msk [tilespmem:v0+s19+$0xFFFFFFD0 ss:$0x1], $0xffff;
	[tilespmem:s20+$0x0] =	vst v1  }
0x3b: {  	v59 =	vld.idx.msk [tilespmem:v0+s19+$0xFFFFFFE0 ss:$0x1], $0xffff;
	[tilespmem:s20+$0x10] =	vst v2  }
0x3c: {  	v60 =	vld.idx.msk [tilespmem:v0+s19+$0xFFFFFFF0 ss:$0x1], $0xffff;
	s31 =	sadd.s32 $0x400, s20;
	[tilespmem:s20+$0x20] =	vst v6  }
0x3d: {  	v61 =	vld.idx.msk [tilespmem:v0+s19+$0x0 ss:$0x1], $0xffff;
	[tilespmem:s31+$0x30] =	vst v56  }
0x3e: {  	v62 =	vld.idx.msk [tilespmem:v0+s19+$0x10 ss:$0x1], $0xffff;
	s18 =	sadd.s32 $0x1, s18;
	[tilespmem:s31+$0xFFFFFFC0] =	vst v57  }
0x3f: {  	v63 =	vld.idx.msk [tilespmem:v0+s19+$0x20 ss:$0x1], $0xffff;
	p1 =	sne.s32 s18, $0x8;
	[tilespmem:s31+$0xFFFFFFD0] =	vst v58  }
.Ltmp4:
0x40: {  	[tilespmem:s31+$0xFFFFFFE0] =	vst v59;
	(pc) =	sbr.rel @p1 .LBB1_4-.Ltmp4, $4  }
0x41: {  	[tilespmem:s31+$0xFFFFFFF0] =	vst v60  }
0x42: {  	[tilespmem:s31+$0x0] =	vst v61  }
0x43: {  	[tilespmem:s31+$0x10] =	vst v62  }
0x44: {  	s16 =	sadd.s32 $0x80, s16;
	s17 =	sadd.s32 $0x400, s17;
	[tilespmem:s31+$0x20] =	vst v63  }
.Ltmp5:
0x45: {  	(pc) =	sbr.rel @p0 .LBB1_3-.Ltmp5, $2  }
0x46: {  	_ =	sdelay $0x2  }
0x47: {  	s16 =	simm.s32 $0x2000;
	p1 =	por $0x0, $0x0  }
.Ltmp6:
0x48: {  	(pc) =	sbr.rel .LBB1_9-.Ltmp6, $4  }
0x49: {  	_ = 	snop  }
0x4a: {  	s12 =	sshll.u32 s12, $0xA  }
0x4b: {  	s12 =	sadd.s32 s4, s12  }
0x4c: {  	[hbm4b:s12+s8] =	stream.linear.scatter [tilespmem:s13], [sflag:$0x2], $0x4000, $0x38;
	[tilespmem:$0x10000] =	vst v63  }
.LBB1_10:
0x4d: {  	_ =	sfence.sel $0x180000  }
0x4e: {  	s2 =	simm.s32 $0x1;
	[bflag:$0x0] =	sbarrier.arrive $0xFFFF  }
0x4f: {  	s31 =	simm.s32 $0x2;
	[sflag:s2] =	ssyncpa.u1 $0x1  }
0x50: {  	[sflag:s31] =	ssyncpa.u1 $0x1  }
0x51: {  	p0 =	sne.s32 s0, $0x0;
	_ =	strace $0x9000004A  }
0x52: {  	s0 =	sadd.s32 @!p0 $0x100000, s1;
	[bflag:$0x2] =	sbarrier.arrive $0xFFFF  }
0x53: {  	[sflag:s0] =	ssyncadd.tile.s32 @!p0 $0x1;
	_ =	shalt  }
.Lfunc_end1:
_tile_overlayer_lowered:
.L_overlay_start_2:
0x54: {  	(tag) =	ssettag $0x2  }
0x55: {  	s0 =	rddreg [dreg:$0x0];
	s2 =	stileid.u32  }
0x56: {  	s1 =	rddreg [dreg:$0x1];
	p0 =	sne.s32 s2, $0x0  }
0x57: {  	s3 =	rddreg [dreg:$0x2];
	[bflag:$0x3] =	sbarrier.arrive $0xFFFF;
	s2 =	simm.s32 @!p0 $0x1C01  }
0x58: {  	[timem:s3], [sflag:s2] =	dma.local @!p0 [hbm:s0], s1  }
0x59: {  	s0 =	simm.s32 @!p0 $0x1  }
0x5a: {  	_ =	swait.ge @!p0 [sflag:s0], s1  }
0x5b: {  	s1 =	ssub.s32 @!p0 $0x0, s1;
	[sflag:s0] =	ssyncset.done @!p0 $0x0  }
0x5c: {  	[sflag:s0] =	ssyncadd.s32 @!p0 s1  }
0x5d: {  	[bflag:$0x3] =	sbarrier.arrive $0xFFFF  }
0x5e: {  	_ =	shalt  }

// kernel: sparse-core-data-format-call.cloned.1.call-start
scs
called_computation_lowered:
.L_overlay_start_0:
0x0: {  	s2 =	sld [smem:$0x3FD9]  }
0x1: {  	s3 =	sld [smem:$0x3FFE];
	_ =	sdelay $0x1  }
0x2: {  	s1 =	srdreg.scid  }
0x3: {  	s0 =	sand.u32 $0x1, s1  }
0x4: {  	s18 =	sshll.u32 s0, $0xA;
	s2 =	sadd.s32 s3, s2  }
0x5: {  	s2 =	sadd.s32 s2, s18  }
0x6: {  	[smem:$0x3FC6] =	sst s2  }
0x7: {  	_ = 	snop  }
0x8: {  	s2 =	sld [smem:$0x3FC8];
	(tm) =	ssettm $0x1  }
0x9: {  	s19 =	sld [smem:$0x3FFB];
	_ =	sdelay $0x3  }
0xa: {  	_ =	strace s19  }
0xb: {  	s3 =	sld [smem:$0x3FFC];
	_ =	sdelay $0x3  }
0xc: {  	_ =	strace s3  }
0xd: {  	s3 =	sld [smem:$0x3FFD];
	_ =	sdelay $0x3  }
0xe: {  	_ =	strace s3  }
0xf: {  	_ =	strace $0x8FFFFFFF  }
0x10: {  	s20 =	sld [smem:$0x3FDB];
	_ =	sdelay $0x1  }
0x11: {  	s4 =	simm.s32 $_scs_section_size  }
0x12: {  	s5 =	simm.s32 $_size__tile_overlayer_lowered;
	s6 =	simm.s32 $_tile_overlayer_lowered  }
0x13: {  	s23 =	simm.s32 $0x1BFF;
	s22 =	sshll.u32 s6, $0x1;
	s3 =	sadd.s32 s4, s20  }
0x14: {  	s7 =	simm.s32 $0x0;
	s21 =	sshll.u32 s5, $0x1;
	s5 =	sadd.s32 s22, s3  }
0x15: {  	[timem:s7], [sflag:s23] =	dma.local [hbm:s5], s21  }
0x16: {  	_ =	swait.ge [sflag:s23], s21  }
0x17: {  	s4 =	ssub.s32 $0x0, s21;
	[sflag:s23] =	ssyncset.done $0x0  }
0x18: {  	[sflag:s23] =	ssyncadd.s32 s4;
	_ =	sdelay $0x1  }
0x19: {  	s24 =	simm.s32 $0x1B8B  }
0x1a: {  	_ =	swait.ge [sflag:s24], $0x1  }
0x1b: {  	[sflag:s24] =	ssyncset.done $0x0  }
0x1c: {  	s26 =	simm.s32 $0x1B8E;
	s25 =	sld [smem:$0x3FFE];
	[sflag:s24] =	ssyncadd.s32 $0xFFFFFFFF  }
0x1d: {  	s27 =	simm.s32 $execute0_lowered;
	[smem:$0x3FD2] =	sst s26  }
0x1e: {  	s5 =	sshll.u32 s27, $0x1;
	_ =	strace $0x80000046;
	[dreg:$0x1] =	wrdreg $0xFFFFFFFF  }
0x1f: {  	s28 =	simm.s32 $_size_execute0_lowered;
	s3 =	sadd.s32 s3, s5;
	[dreg:$0x0] =	wrdreg $0x0  }
0x20: {  	s5 =	sshll.u32 s28, $0x1;
	[dreg:$0x2] =	wrdreg s3  }
0x21: {  	[dreg:$0x3] =	wrdreg s5  }
0x22: {  	[dreg:$0x4] =	wrdreg $0xC0  }
0x23: {  	_ =	task [dreg:s7], $0x5FFFF  }
0x24: {  	[dreg:$0x1] =	wrdreg $0xFFFFFFFF  }
0x25: {  	[dreg:$0x0] =	wrdreg $0x60  }
0x26: {  	[dreg:$0x2] =	wrdreg s2  }
0x27: {  	[dreg:$0x3] =	wrdreg s25  }
0x28: {  	[dreg:$0x4] =	wrdreg $0x9  }
0x29: {  	_ =	task.clear_ibuf [dreg:s7], $0x5FFFF;
	_ =	strace $0x90000046  }
0x2a: {  	s29 =	simm.s32 $0x9;
	_ =	strace $0x80000048  }
0x2b: {  	_ =	swait.ge [sflag:s29], $0x1  }
0x2c: {  	[sflag:s29] =	ssyncadd.s32 $0xFFFFFFFF  }
0x2d: {  	_ =	strace $0x90000048  }
0x2e: {  	_ =	sfence  }
0x2f: {  	s30 =	sld [smem:$0x0];
	_ =	sdelay $0x2  }
0x30: {  	s31 =	sshll.u32 s1, $0xD;
	s1 =	sshrl.u32 s1, $0x2  }
0x31: {  	s3 =	sand.u32 $0x4000, s31;
	s1 =	sadd.s32 s1, s30  }
0x32: {  	s0 =	sor.u32 s3, s0;
	s1 =	sshll.u32 s1, $0x11  }
0x33: {  	s0 =	sor.u32 s1, s0  }
0x34: {  	s0 =	sadd.s32 $0x8F2B, s0  }
0x35: {  	[sflag:s0] =	ssyncadd.remote.s32 $0x1  }
0x36: {  	_ =	sfence.sel $0xFFFF  }
0x37: {  	[dreg:$0x0] =	wrdreg $0xFFFFFFFF;
	(pc) =	sbr.abs _section_cstart, $3  }
0x38: {  	[dreg:$0x1] =	wrdreg $0xFFFFFFFF  }
0x39: {  	_ =	task.clear_ibuf [dreg:s7], $0x2FFFF;
	_ =	strace $0x9FFFFFFF  }
0x3a: {  	(tm) =	ssettm $0x7FFFFFFF  }
0x3b: {  	_ =	shalt  }
tec
execute0_lowered:
.L_overlay_start_1:
0x0: {  	(tag) =	ssettag $0x1  }
0x1: {  	s0 =	srdreg.scid  }
0x2: {  	s1 =	sshll.u32 s0, $0x4  }
0x3: {  	s2 =	rddreg [dreg:$0x0];
	s0 =	stileid.u32;
	s1 =	sand.u32 $0x10, s1  }
0x4: {  	s4 =	rddreg [dreg:$0x1];
	s7 =	simm.s32 $0x1;
	s1 =	sor.u32 s0, s1  }
0x5: {  	s8 =	simm.s32 $0x2;
	s9 =	simm.s32 $0x0;
	s3 =	sshll.u32 s1, $0x1  }
0x6: {  	s12 =	simm.s32 $0x0;
	s11 =	simm.s32 $0x0;
	s6 =	ssub.s32 $0x400, s3  }
.Ltmp0:
0x7: {  	s4 =	sadd.s32 $0xC00, s4;
	s5 =	sand.u32 $0x3E, s6;
	(pc) =	sbr.rel .LBB1_1-.Ltmp0, $4  }
0x8: {  	s1 =	rddreg [dreg:$0x2];
	_ =	strace $0x80000047;
	p0 =	sne.s32 s5, $0x0  }
0x9: {  	s6 =	sshrl.u32 s6, $0x6;
	s5 =	simm.s32 $0x1;
	s7 =	simm.s32 @!p0 $0x0  }
0xa: {  	s10 =	smov.u32 s3;
	[sflag:s5] =	ssyncpa.u1 $0x0;
	s6 =	sadd.s32 s7, s6  }
0xb: {  	[sflag:s8] =	ssyncpa.u1 $0x0;
	s8 =	simm.s32 $0x0;
	s7 =	sadd.s32 $0x1, s6  }
.LBB1_9:
0xc: {  	s14 =	sadd.s32 $0x40, s10  }
0xd: {  	p1 =	sgt.s32 s14, $0x3FF  }
0xe: {  	s14 =	smov.u32 @p1 s3;
	p1 =	sne.s32 s11, s7  }
.Ltmp1:
0xf: {  	p0 =	slt.u32 s11, $0x2;
	(pc) =	sbr.rel @!p1 .LBB1_10-.Ltmp1, $4  }
0x10: {  	s13 =	simm.s32 @!p0 $0x2  }
0x11: {  	s15 =	sadd.s32 $0x1, s11;
	_ =	swait.ge @!p0 [sflag:s13], $0x4000  }
0x12: {  	s12 =	smov.u32 s10;
	s9 =	sadd.s32 $0x4000, s9;
	[sflag:s13] =	ssyncset.done @!p0 $0x0  }
0x13: {  	s11 =	smov.u32 s15;
	s10 =	smov.u32 s14;
	[sflag:s13] =	ssyncadd.s32 @!p0 $0xFFFFC000  }
.LBB1_1:
0x14: {  	p0 =	sge.u32 s11, s6  }
0x15: {  	s13 =	sxor.u32 @!p0 $0xFFFFFFFF, s11  }
0x16: {  	s31 =	sadd.s32 $0xFFFFFFFF, s11;
	s14 =	sshll.u32 @!p0 s10, $0xA;
	s13 =	sshll.u32 @!p0 s13, $0xE  }
0x17: {  	s15 =	simm.s32 @!p0 $0x0;
	s14 =	sadd.s32 @!p0 s2, s14;
	s13 =	sand.u32 @!p0 $0x4000, s13  }
0x18: {  	[tilespmem:s13], [sflag:$0x1] =	stream.linear.gather @!p0 [hbm4b:s14+s15], $0x4000, $0x38;
	[tilespmem:$0x10000] =	vst v63  }
0x19: {  	p0 =	sge.u32 s31, s6  }
.Ltmp2:
0x1a: {  	_ = 	snop;
	(pc) =	sbr.rel @p0 .LBB1_9-.Ltmp2, $1  }
0x1b: {  	_ =	sdelay $0x3  }
0x1c: {  	s13 =	sshll.u32 s9, $0x2  }
0x1d: {  	_ =	swait.ge [sflag:s5], $0x4000;
	s14 =	sshll.u32 s11, $0xE;
	s16 =	simm.s32 $0x0  }
0x1e: {  	p1 =	por $0x1, $0x1;
	s13 =	sand.u32 $0x10000, s13;
	[sflag:s5] =	ssyncset.done $0x0  }
0x1f: {  	s14 =	sand.u32 $0x4000, s14;
	s15 =	sshrl.u32 s13, $0x2;
	[sflag:s5] =	ssyncadd.s32 $0xFFFFC000  }
0x20: {  	s13 =	sor.u32 $0x8000, s14;
	s14 =	sadd.s32 $0x8040, s15;
	s15 =	sadd.s32 $0x40, s15  }
.LBB1_3:
0x21: {  	s16 =	sshll.u32 s16, $0x2  }
0x22: {  	p0 =	por p1, p1;
	s17 =	sshra.s32 s16, $0x2  }
0x23: {  	s18 =	simm.s32 $0x0;
	s16 =	sadd.s32 s17, s14;
	s17 =	sadd.s32 s17, s15  }
.LBB1_4:
0x24: {  	v0 =	vmov s17;
	_ =	sdelay $0x3  }
0x25: {  	s20 =	simm.s32 $0x0  }
0x26: {  	v6 =	vld.idx.msk [tilespmem:v0+s20+$0x30 ss:$0x1], $0xffff  }
0x27: {  	v7 =	vld.idx.msk [tilespmem:v0+s20+$0xFFFFFFC0 ss:$0x1], $0xffff  }
0x28: {  	v5 =	vld.idx.msk [tilespmem:v0+s20+$0xFFFFFFD0 ss:$0x1], $0xffff  }
0x29: {  	v4 =	vld.idx.msk [tilespmem:v0+s20+$0xFFFFFFE0 ss:$0x1], $0xffff  }
0x2a: {  	v3 =	vld.idx.msk [tilespmem:v0+s20+$0xFFFFFFF0 ss:$0x1], $0xffff  }
0x2b: {  	v1 =	vld.idx.msk [tilespmem:v0+s20+$0x0 ss:$0x1], $0xffff  }
0x2c: {  	v2 =	vld.idx.msk [tilespmem:v0+s20+$0x10 ss:$0x1], $0xffff;
	[tilespmem:s16+$0x30] =	vst v6  }
0x2d: {  	s19 =	simm.s32 $0x80;
	s21 =	simm.s32 $0x400;
	[tilespmem:s16+$0xFFFFFFC0] =	vst v7;
	v6 =	vld.idx.msk [tilespmem:v0+s20+$0x20 ss:$0x1], $0xffff;
	s20 =	smov.u32 s16  }
.LBB1_5:
0x2e: {  	p1 =	sne.s32 s21, $0xE00;
	v7 =	vld.idx.msk [tilespmem:v0+s19+$0x30 ss:$0x1], $0xffff;
	[tilespmem:s20+$0xFFFFFFD0] =	vst v5  }
0x2f: {  	v8 =	vld.idx.msk [tilespmem:v0+s19+$0xFFFFFFC0 ss:$0x1], $0xffff;
	[tilespmem:s20+$0xFFFFFFE0] =	vst v4  }
0x30: {  	v5 =	vld.idx.msk [tilespmem:v0+s19+$0xFFFFFFD0 ss:$0x1], $0xffff;
	[tilespmem:s20+$0xFFFFFFF0] =	vst v3  }
.Ltmp3:
0x31: {  	v4 =	vld.idx.msk [tilespmem:v0+s19+$0xFFFFFFE0 ss:$0x1], $0xffff;
	[tilespmem:s20+$0x0] =	vst v1;
	(pc) =	sbr.rel @p1 .LBB1_5-.Ltmp3, $4  }
0x32: {  	v3 =	vld.idx.msk [tilespmem:v0+s19+$0xFFFFFFF0 ss:$0x1], $0xffff;
	[tilespmem:s20+$0x10] =	vst v2  }
0x33: {  	v1 =	vld.idx.msk [tilespmem:v0+s19+$0x0 ss:$0x1], $0xffff;
	[tilespmem:s20+$0x20] =	vst v6;
	s20 =	sadd.s32 $0x400, s20  }
0x34: {  	v2 =	vld.idx.msk [tilespmem:v0+s19+$0x10 ss:$0x1], $0xffff;
	[tilespmem:s20+$0x30] =	vst v7  }
0x35: {  	[tilespmem:s20+$0xFFFFFFC0] =	vst v8;
	v6 =	vld.idx.msk [tilespmem:v0+s19+$0x20 ss:$0x1], $0xffff;
	s19 =	sshra.s32 s21, $0x2;
	s21 =	sadd.s32 $0x200, s21  }
0x36: {  	_ =	sdelay $0x2  }
0x37: {  	[tilespmem:s20+$0xFFFFFFD0] =	vst v5  }
0x38: {  	v56 =	vld.idx.msk [tilespmem:v0+s19+$0x30 ss:$0x1], $0xffff;
	[tilespmem:s20+$0xFFFFFFE0] =	vst v4  }
0x39: {  	v57 =	vld.idx.msk [tilespmem:v0+s19+$0xFFFFFFC0 ss:$0x1], $0xffff;
	[tilespmem:s20+$0xFFFFFFF0] =	vst v3  }
0x3a: {  	v58 =	vld.idx.msk [tilespmem:v0+s19+$0xFFFFFFD0 ss:$0x1], $0xffff;
	[tilespmem:s20+$0x0] =	vst v1  }
0x3b: {  	v59 =	vld.idx.msk [tilespmem:v0+s19+$0xFFFFFFE0 ss:$0x1], $0xffff;
	[tilespmem:s20+$0x10] =	vst v2  }
0x3c: {  	v60 =	vld.idx.msk [tilespmem:v0+s19+$0xFFFFFFF0 ss:$0x1], $0xffff;
	s31 =	sadd.s32 $0x400, s20;
	[tilespmem:s20+$0x20] =	vst v6  }
0x3d: {  	v61 =	vld.idx.msk [tilespmem:v0+s19+$0x0 ss:$0x1], $0xffff;
	[tilespmem:s31+$0x30] =	vst v56  }
0x3e: {  	v62 =	vld.idx.msk [tilespmem:v0+s19+$0x10 ss:$0x1], $0xffff;
	s18 =	sadd.s32 $0x1, s18;
	[tilespmem:s31+$0xFFFFFFC0] =	vst v57  }
0x3f: {  	v63 =	vld.idx.msk [tilespmem:v0+s19+$0x20 ss:$0x1], $0xffff;
	p1 =	sne.s32 s18, $0x8;
	[tilespmem:s31+$0xFFFFFFD0] =	vst v58  }
.Ltmp4:
0x40: {  	[tilespmem:s31+$0xFFFFFFE0] =	vst v59;
	(pc) =	sbr.rel @p1 .LBB1_4-.Ltmp4, $4  }
0x41: {  	[tilespmem:s31+$0xFFFFFFF0] =	vst v60  }
0x42: {  	[tilespmem:s31+$0x0] =	vst v61  }
0x43: {  	[tilespmem:s31+$0x10] =	vst v62  }
0x44: {  	s16 =	sadd.s32 $0x80, s16;
	s17 =	sadd.s32 $0x400, s17;
	[tilespmem:s31+$0x20] =	vst v63  }
.Ltmp5:
0x45: {  	(pc) =	sbr.rel @p0 .LBB1_3-.Ltmp5, $2  }
0x46: {  	_ =	sdelay $0x2  }
0x47: {  	s16 =	simm.s32 $0x2000;
	p1 =	por $0x0, $0x0  }
.Ltmp6:
0x48: {  	(pc) =	sbr.rel .LBB1_9-.Ltmp6, $4  }
0x49: {  	_ = 	snop  }
0x4a: {  	s12 =	sshll.u32 s12, $0xA  }
0x4b: {  	s12 =	sadd.s32 s4, s12  }
0x4c: {  	[hbm4b:s12+s8] =	stream.linear.scatter [tilespmem:s13], [sflag:$0x2], $0x4000, $0x38;
	[tilespmem:$0x10000] =	vst v63  }
.LBB1_10:
0x4d: {  	_ =	sfence.sel $0x180000  }
0x4e: {  	s2 =	simm.s32 $0x1;
	[bflag:$0x0] =	sbarrier.arrive $0xFFFF  }
0x4f: {  	s31 =	simm.s32 $0x2;
	[sflag:s2] =	ssyncpa.u1 $0x1  }
0x50: {  	[sflag:s31] =	ssyncpa.u1 $0x1  }
0x51: {  	p0 =	sne.s32 s0, $0x0;
	_ =	strace $0x90000047  }
0x52: {  	s0 =	sadd.s32 @!p0 $0x100000, s1;
	[bflag:$0x2] =	sbarrier.arrive $0xFFFF  }
0x53: {  	[sflag:s0] =	ssyncadd.tile.s32 @!p0 $0x1;
	_ =	shalt  }
.Lfunc_end1:
_tile_overlayer_lowered:
.L_overlay_start_2:
0x54: {  	(tag) =	ssettag $0x2  }
0x55: {  	s0 =	rddreg [dreg:$0x0];
	s2 =	stileid.u32  }
0x56: {  	s1 =	rddreg [dreg:$0x1];
	p0 =	sne.s32 s2, $0x0  }
0x57: {  	s3 =	rddreg [dreg:$0x2];
	[bflag:$0x3] =	sbarrier.arrive $0xFFFF;
	s2 =	simm.s32 @!p0 $0x1C01  }
0x58: {  	[timem:s3], [sflag:s2] =	dma.local @!p0 [hbm:s0], s1  }
0x59: {  	s0 =	simm.s32 @!p0 $0x1  }
0x5a: {  	_ =	swait.ge @!p0 [sflag:s0], s1  }
0x5b: {  	s1 =	ssub.s32 @!p0 $0x0, s1;
	[sflag:s0] =	ssyncset.done @!p0 $0x0  }
0x5c: {  	[sflag:s0] =	ssyncadd.s32 @!p0 s1  }
0x5d: {  	[bflag:$0x3] =	sbarrier.arrive $0xFFFF  }
0x5e: {  	_ =	shalt  }

</sc_bundles>
